<compile_context>
chip_gen: v7x
topology: tpu7x:2x2x1
jax: 0.10.2.dev20260603
libtpu: 0.0.44.dev20260713+nightly
codegen_flags: <defaults>
</compile_context>

<pallas_src>
import jax
import jax.numpy as jnp
from jax import lax
from jax.experimental import pallas as pl
from jax.experimental.pallas import tpu as pltpu
from jax.experimental.pallas import tpu_sc as plsc

_NUM_PRE = 2048
_NUM_POST = 1024
_BATCH = 16
_N = _NUM_PRE * _NUM_POST
_K_TARGET = int(0.1 * _N)
_DT = 0.1
_BLK = 256
_G = _NUM_PRE // _BLK

_SUB_ROWS = 64
_K_SUB = _K_TARGET // 32
_M_SUB = 480
_SUB_ITERS = 22
_RANK_TOL = 3
_INF_BITS = 0x7F800000

_NW = 32
_PER_W = _N // _NW
_NSEG = 4
_CAP = 4096
_SEG_CAP = _CAP // _NSEG
_IMIN = jnp.iinfo(jnp.int32).min


def _sub_bisect(data, target, n_iter):

    def step(_, lohi):
        lo, hi = lohi
        mid = lo + (hi - lo) // 2
        c = jnp.sum((data >= mid).astype(jnp.int32))
        ge = c >= target
        return jnp.where(ge, mid, lo), jnp.where(ge, hi, mid)

    lo, _ = lax.fori_loop(0, n_iter, step, (jnp.int32(0),
                                            jnp.int32(_INF_BITS)))
    return lo


def _count_bisect(count_fn, lo0, hi0, c0):

    def cond(state):
        lo, hi, c_lo = state
        return jnp.logical_and(c_lo > _K_TARGET + _RANK_TOL, hi - lo > 1)

    def body(state):
        lo, hi, c_lo = state
        mid = lo + (hi - lo) // 2
        c = count_fn(mid)
        ge = c >= _K_TARGET
        return (jnp.where(ge, mid, lo), jnp.where(ge, hi, mid),
                jnp.where(ge, c, c_lo))

    lo, _, _ = lax.while_loop(cond, body, (lo0, hi0, c0))
    return lo


def _tc1_body(scal_ref, pre_blk_ref, post_ref, elig_blk_ref,
              ne_ref, abits_ref, meta_ref, smem):
    i = pl.program_id(0)
    decay = scal_ref[0]
    scale = scal_ref[1]
    thr = scal_ref[2]

    upd = jnp.dot(pre_blk_ref[...], post_ref[...],
                  preferred_element_type=jnp.float32) * scale
    ne = elig_blk_ref[...] * decay + upd
    ne_ref[...] = ne
    abits = jax.lax.bitcast_convert_type(jnp.abs(ne), jnp.int32)
    abits_ref[...] = abits
    cnt = jnp.sum((jnp.abs(ne) > thr).astype(jnp.int32))

    @pl.when(i == 0)
    def _first():
        sub = abits[0:_SUB_ROWS, :]
        t_lo = _sub_bisect(sub, _K_SUB + _M_SUB, _SUB_ITERS)
        t_hi = _sub_bisect(sub, _K_SUB - _M_SUB, _SUB_ITERS)
        smem[0] = cnt
        smem[1] = jnp.sum((abits >= t_hi).astype(jnp.int32))
        smem[2] = jnp.sum(jnp.logical_and(abits >= t_lo,
                                          abits < t_hi).astype(jnp.int32))
        smem[3] = t_lo
        smem[4] = t_hi

    @pl.when(i > 0)
    def _rest():
        t_lo = smem[3]
        t_hi = smem[4]
        smem[0] = smem[0] + cnt
        smem[1] = smem[1] + jnp.sum((abits >= t_hi).astype(jnp.int32))
        smem[2] = smem[2] + jnp.sum(
            jnp.logical_and(abits >= t_lo, abits < t_hi).astype(jnp.int32))

    @pl.when(i == _G - 1)
    def _last():
        ci = jax.lax.broadcasted_iota(jnp.int32, (1, 128), 1)
        meta_ref[...] = jnp.where(
            ci == 0, smem[3],
            jnp.where(ci == 1, smem[4],
                      jnp.where(ci == 2, smem[0],
                                jnp.where(ci == 3, smem[1],
                                          jnp.where(ci == 4, smem[2], 0)))))


def _tc1(scalars, pre_t, post, elig):
    out_shape = (
        jax.ShapeDtypeStruct((_NUM_PRE, _NUM_POST), jnp.float32),
        jax.ShapeDtypeStruct((_NUM_PRE, _NUM_POST), jnp.int32),
        jax.ShapeDtypeStruct((1, 128), jnp.int32),
    )
    return pl.pallas_call(
        _tc1_body,
        grid=(_G,),
        out_shape=out_shape,
        in_specs=[
            pl.BlockSpec(memory_space=pltpu.SMEM),
            pl.BlockSpec((_BLK, _BATCH), lambda i: (i, 0)),
            pl.BlockSpec((_BATCH, _NUM_POST), lambda i: (0, 0)),
            pl.BlockSpec((_BLK, _NUM_POST), lambda i: (i, 0)),
        ],
        out_specs=(
            pl.BlockSpec((_BLK, _NUM_POST), lambda i: (i, 0)),
            pl.BlockSpec((_BLK, _NUM_POST), lambda i: (i, 0)),
            pl.BlockSpec((1, 128), lambda i: (0, 0)),
        ),
        scratch_shapes=[pltpu.SMEM((8,), jnp.int32)],
        compiler_params=pltpu.CompilerParams(
            dimension_semantics=("arbitrary",)),
    )(scalars, pre_t, post, elig)


def _sc_body(aux_hbm, abits_hbm, comp_hbm, counts_hbm,
             data_v, comp_v, cnt_v, aux_v):
    wid = lax.axis_index("s") * 2 + lax.axis_index("c")
    lane = jax.lax.iota(jnp.int32, 16)

    pltpu.sync_copy(aux_hbm, aux_v)
    av = aux_v[...]
    t_lo = jnp.max(jnp.where(lane == 0, av, _IMIN))
    t_hi = jnp.max(jnp.where(lane == 1, av, _IMIN))

    pltpu.sync_copy(abits_hbm.at[wid], data_v)

    n_iter = _PER_W // 16 // _NSEG

    def step(i, offs):
        new = []
        for s in range(_NSEG):
            v = data_v[pl.ds((s * n_iter + i) * 16, 16)]
            m = jnp.logical_and(v >= t_lo, v < t_hi)
            c = jnp.max(plsc.all_reduce_population_count(m))
            off = offs[s]

            @pl.when(off <= _SEG_CAP - 16)
            def _(s=s, off=off, v=v, m=m):
                plsc.store_compressed(
                    comp_v.at[pl.ds(s * _SEG_CAP + off, 16)], v, mask=m)

            new.append(off + c)
        return tuple(new)

    offs = lax.fori_loop(0, n_iter, step,
                         tuple(jnp.int32(0) for _ in range(_NSEG)))

    cnt = jnp.full((16,), 0, jnp.int32)
    for s in range(_NSEG):
        cnt = jnp.where(lane == s, offs[s], cnt)
    cnt_v[...] = cnt
    pltpu.sync_copy(cnt_v, counts_hbm.at[wid])
    pltpu.sync_copy(comp_v, comp_hbm.at[wid])


def _sc_compact(aux, abits):
    mesh = plsc.VectorSubcoreMesh(core_axis_name="c", subcore_axis_name="s")
    return pl.kernel(
        _sc_body,
        out_type=(
            jax.ShapeDtypeStruct((_NW, _CAP), jnp.int32),
            jax.ShapeDtypeStruct((_NW, 16), jnp.int32),
        ),
        mesh=mesh,
        scratch_types=[
            pltpu.VMEM((_PER_W,), jnp.int32),
            pltpu.VMEM((_CAP,), jnp.int32),
            pltpu.VMEM((16,), jnp.int32),
            pltpu.VMEM((16,), jnp.int32),
        ],
        compiler_params=pltpu.CompilerParams(needs_layout_passes=False),
    )(aux, abits)


def _tc2a_body(scal_ref, iscal_ref, comp_ref, counts_ref, ne_blk_ref,
               wu_ref, smem):
    i = pl.program_id(0)
    mwc = scal_ref[3]

    @pl.when(i == 0)
    def _search():
        cut_else = iscal_ref[0]
        use_topk = iscal_ref[1]
        n_above = iscal_ref[2]
        t_lo = iscal_ref[3]
        t_hi = iscal_ref[4]
        n_in = iscal_ref[5]
        comp = comp_ref[...]
        col = jax.lax.broadcasted_iota(jnp.int32, (_NW, _CAP), 1)
        valid = jnp.zeros((_NW, _CAP), jnp.bool_)
        for s in range(_NSEG):
            n_s = counts_ref[:, s:s + 1]
            valid = jnp.logical_or(
                valid,
                jnp.logical_and(col >= s * _SEG_CAP,
                                col - s * _SEG_CAP < n_s))

        def count_fn(mid):
            sel = jnp.logical_and(valid, comp >= mid)
            return n_above + jnp.sum(sel.astype(jnp.int32))

        tstar = _count_bisect(count_fn, t_lo, t_hi, n_above + n_in)
        smem[0] = jnp.where(use_topk > 0, tstar, cut_else)

    cut = smem[0]
    ne = ne_blk_ref[...]
    abits = jax.lax.bitcast_convert_type(jnp.abs(ne), jnp.int32)
    wu_ref[...] = jnp.where(abits >= cut, jnp.clip(ne, -mwc, mwc),
                            jnp.zeros_like(ne))


def _tc2a(scalars, iscal, comp, counts, ne):
    return pl.pallas_call(
        _tc2a_body,
        grid=(_G,),
        out_shape=jax.ShapeDtypeStruct((_NUM_PRE, _NUM_POST), jnp.float32),
        in_specs=[
            pl.BlockSpec(memory_space=pltpu.SMEM),
            pl.BlockSpec(memory_space=pltpu.SMEM),
            pl.BlockSpec((_NW, _CAP), lambda i: (0, 0)),
            pl.BlockSpec((_NW, 16), lambda i: (0, 0)),
            pl.BlockSpec((_BLK, _NUM_POST), lambda i: (i, 0)),
        ],
        out_specs=pl.BlockSpec((_BLK, _NUM_POST), lambda i: (i, 0)),
        scratch_shapes=[pltpu.SMEM((2,), jnp.int32)],
        compiler_params=pltpu.CompilerParams(
            dimension_semantics=("arbitrary",)),
    )(scalars, iscal, comp, counts, ne)


def _tc2b_body(scal_ref, iscal_ref, ne_blk_ref, wu_ref, bits_scr, smem):
    i = pl.program_id(0)
    mwc = scal_ref[3]

    @pl.when(i < _G)
    def _stage():
        ne = ne_blk_ref[...]
        bits_scr[pl.ds(i * _BLK, _BLK), :] = jax.lax.bitcast_convert_type(
            jnp.abs(ne), jnp.int32)

    @pl.when(i == _G)
    def _search():
        bits = bits_scr[...]

        def count_fn(mid):
            return jnp.sum((bits >= mid).astype(jnp.int32))

        tstar = _count_bisect(count_fn, jnp.int32(0), jnp.int32(_INF_BITS),
                              jnp.int32(_N))
        smem[0] = jnp.where(iscal_ref[1] > 0, tstar, iscal_ref[0])

    @pl.when(i >= _G)
    def _write():
        j = i - _G
        cut = smem[0]
        ne = ne_blk_ref[...]
        abits = jax.lax.bitcast_convert_type(jnp.abs(ne), jnp.int32)
        wu_ref[...] = jnp.where(abits >= cut, jnp.clip(ne, -mwc, mwc),
                                jnp.zeros_like(ne))


def _tc2b(scalars, iscal, ne):
    return pl.pallas_call(
        _tc2b_body,
        grid=(2 * _G,),
        out_shape=jax.ShapeDtypeStruct((_NUM_PRE, _NUM_POST), jnp.float32),
        in_specs=[
            pl.BlockSpec(memory_space=pltpu.SMEM),
            pl.BlockSpec(memory_space=pltpu.SMEM),
            pl.BlockSpec((_BLK, _NUM_POST),
                         lambda i: (jnp.where(i < _G, i, i - _G), 0)),
        ],
        out_specs=pl.BlockSpec((_BLK, _NUM_POST),
                               lambda i: (jnp.maximum(i - _G, 0), 0)),
        scratch_shapes=[
            pltpu.VMEM((_NUM_PRE, _NUM_POST), jnp.int32),
            pltpu.SMEM((2,), jnp.int32),
        ],
        compiler_params=pltpu.CompilerParams(
            dimension_semantics=("arbitrary",)),
    )(scalars, iscal, ne)


def kernel(pre_spikes, post_spikes, weights, eligibility_trace, a_plus,
           a_minus, tau_plus, tau_minus, tau_eligibility, activity_threshold,
           max_weight_change):
    del weights, tau_plus, tau_minus
    decay = jnp.exp(-_DT / tau_eligibility)
    scale = (a_plus + a_minus) / _BATCH
    scalars = jnp.stack([decay, scale, activity_threshold,
                         max_weight_change]).astype(jnp.float32)
    pre_t = pre_spikes.T

    ne, abits, meta = _tc1(scalars, pre_t, post_spikes, eligibility_trace)

    t_lo = meta[0, 0]
    t_hi = meta[0, 1]
    cnt_thr = meta[0, 2]
    n_above = meta[0, 3]
    n_in = meta[0, 4]

    aux = jnp.zeros((16,), jnp.int32).at[0].set(t_lo).at[1].set(t_hi)
    comp, counts = _sc_compact(aux, abits.reshape(_NW, _PER_W))

    thr_bits = jax.lax.bitcast_convert_type(activity_threshold, jnp.int32)
    cut_else = jnp.where(activity_threshold >= 0.0, thr_bits + 1,
                         jnp.int32(0))
    use_topk = (cnt_thr > _K_TARGET).astype(jnp.int32)
    iscal = jnp.stack([cut_else, use_topk, n_above, t_lo, t_hi, n_in,
                       jnp.int32(0), jnp.int32(0)])

    overflow = jnp.any(counts[:, 0:_NSEG] > _SEG_CAP - 16)
    ok = jnp.logical_and(
        jnp.logical_not(overflow),
        jnp.logical_and(n_above < _K_TARGET,
                        n_above + n_in >= _K_TARGET))

    wu = lax.cond(
        ok,
        lambda: _tc2a(scalars, iscal, comp, counts, ne),
        lambda: _tc2b(scalars, iscal, ne),
    )
    return (wu, ne)

# --- scband reference (transcript-rebuilt; emitter-appended) ---
"""Pipeline reference for scband-sparse-plasticity-rule-32186484916862 (READ-ONLY COPY).

The authoritative reference and input builder live on the scoring server;
editing this copy changes nothing except your own understanding.
"""

import jax, jax.numpy as jnp
import numpy as np

NUM_PRE = 2048
NUM_POST = 1024
BATCH = 16
SPARSITY = 0.1
DT = 0.1


def setup_inputs(seed: int = 0) -> dict:
    key = jax.random.key(seed)
    k1, k2, k3, k4 = jax.random.split(key, 4)
    pre_spikes = jax.random.uniform(k1, (BATCH, NUM_PRE), dtype=jnp.float32)
    post_spikes = jax.random.uniform(k2, (BATCH, NUM_POST), dtype=jnp.float32)
    weights = jax.random.normal(k3, (NUM_PRE, NUM_POST), dtype=jnp.float32)
    eligibility_trace = jax.random.normal(k4, (NUM_PRE, NUM_POST), dtype=jnp.float32)
    return {
        "pre_spikes": pre_spikes,
        "post_spikes": post_spikes,
        "weights": weights,
        "eligibility_trace": eligibility_trace,
        "a_plus": jnp.float32(0.01),
        "a_minus": jnp.float32(-0.005),
        "tau_plus": jnp.float32(20.0),
        "tau_minus": jnp.float32(20.0),
        "tau_eligibility": jnp.float32(50.0),
        "activity_threshold": jnp.float32(0.1),
        "max_weight_change": jnp.float32(0.001),
    }


def reference(pre_spikes, post_spikes, weights, eligibility_trace, a_plus, a_minus,
              tau_plus, tau_minus, tau_eligibility, activity_threshold, max_weight_change):
    trace_decay = jnp.exp(-DT / tau_eligibility)
    pre_expanded = pre_spikes[:, :, None]          # [B, num_pre, 1]
    post_expanded = post_spikes[:, None, :]        # [B, 1, num_post]
    ltp_contribution = pre_expanded * post_expanded * a_plus
    ltd_contribution = pre_expanded * post_expanded * a_minus
    stdp_signal = ltp_contribution + ltd_contribution
    batch_trace_update = jnp.mean(stdp_signal, axis=0)
    new_eligibility = eligibility_trace * trace_decay + batch_trace_update
    activity_level = jnp.abs(new_eligibility)
    sparse_mask = activity_level > activity_threshold
    weight_updates = jnp.where(
        sparse_mask,
        jnp.clip(new_eligibility, -max_weight_change, max_weight_change),
        jnp.zeros_like(weights),
    )
    num_updates = jnp.sum(sparse_mask)
    target_updates = int(SPARSITY * NUM_PRE * NUM_POST)
    flat_activity = activity_level.reshape(-1)
    _, top_indices = jax.lax.top_k(flat_activity, target_updates)
    sparse_mask_flat = jnp.zeros_like(flat_activity, dtype=bool).at[top_indices].set(True)
    topk_mask = sparse_mask_flat.reshape(weights.shape)
    use_topk = num_updates > target_updates
    weight_updates = jnp.where(
        use_topk,
        jnp.where(topk_mask, weight_updates, jnp.zeros_like(weight_updates)),
        weight_updates,
    )
    return (weight_updates, new_eligibility)

if __name__ == "__main__":
    import jax
    _d = setup_inputs()
    print(jax.jit(kernel)(*tuple(_d.values())))

</pallas_src>

<mosaic_0001>
#map = affine_map<(d0, d1) -> (0)>
#map1 = affine_map<(d0, d1) -> (0, 0)>
module attributes {stable_mosaic.version = 14 : i64} {
  func.func @_sc_body(%arg0: i32, %arg1: i32, %arg2: memref<16xi32, #tpu.memory_space<hbm>>, %arg3: memref<32x65536xi32, #tpu.memory_space<hbm>>, %arg4: memref<32x4096xi32, #tpu.memory_space<hbm>>, %arg5: memref<32x16xi32, #tpu.memory_space<hbm>>, %arg6: memref<65536xi32, #tpu.memory_space<vmem>>, %arg7: memref<4096xi32, #tpu.memory_space<vmem>>, %arg8: memref<16xi32, #tpu.memory_space<vmem>>, %arg9: memref<16xi32, #tpu.memory_space<vmem>>) attributes {dimension_semantics = [#tpu.dimension_semantics<core_parallel>, #tpu.dimension_semantics<subcore_parallel>], iteration_bounds = array<i64: 2, 16>, scalar_prefetch = 0 : i64, scratch_operands = 4 : i64, tpu.core_type = #tpu.core_type<sc_vector_subcore>, window_params = [{transform_indices = #map}, {transform_indices = #map1}, {transform_indices = #map1}, {transform_indices = #map1}]} {
    %mul3A = arith.constant 2 : i32
    %mul3A_0 = arith.muli %arg1, %mul3A : i32
    %add3A = arith.addi %mul3A_0, %arg0 : i32
    %iota3A = tpu.iota {dimensions = array<i32: 0>} : vector<16xi32>
    "tpu.region"() ({
      %run_scoped3A = tpu.sem_alloc : memref<!tpu.dma_semaphore, #tpu.memory_space<semaphore_mem>>
      tpu.enqueue_dma source(%arg2 : memref<16xi32, #tpu.memory_space<hbm>>) target(%arg9 : memref<16xi32, #tpu.memory_space<vmem>>) target_semaphore(%run_scoped3A : memref<!tpu.dma_semaphore, #tpu.memory_space<semaphore_mem>>)
      tpu.wait_dma2 semaphore(%run_scoped3A : memref<!tpu.dma_semaphore, #tpu.memory_space<semaphore_mem>>) src(%arg2 : memref<16xi32, #tpu.memory_space<hbm>>) dst(%arg9 : memref<16xi32, #tpu.memory_space<vmem>>)
      tpu.yield
    }) : () -> ()
    %get3A = arith.constant 0 : index
    %get3A_1 = tpu.vector_load %arg9[%get3A] {strides = array<i32>} : memref<16xi32, #tpu.memory_space<vmem>>, vector<16xi32>,
    %eq3A = arith.constant 0 : i32
    %eq3A_2 = vector.broadcast %eq3A : i32 to vector<16xi32>
    %eq3A_3 = arith.cmpi eq, %iota3A, %eq3A_2 : vector<16xi32>
    %jit3A = arith.constant -2147483648 : i32
    %broadcast_in_dim3A = vector.broadcast %jit3A : i32 to vector<16xi32>
    %select_n3A = arith.select %eq3A_3, %get3A_1, %broadcast_in_dim3A : vector<16xi1>, vector<16xi32>
    %reduce_max3A = arith.constant true
    %reduce_max3A_4 = vector.broadcast %reduce_max3A : i1 to vector<16xi1>
    %reduce_max3A_5 = arith.constant -2147483648 : i32
    %reduce_max3A_6 = vector.broadcast %reduce_max3A_5 : i32 to vector<16xi32>
    %reduce_max3A_7 = arith.xori %select_n3A, %reduce_max3A_6 : vector<16xi32>
    %reduce_max3A_8 = tpu.scan <max>, %reduce_max3A_7 masked %reduce_max3A_4 : vector<16xi32>, vector<16xi1> -> vector<16xi32>
    %reduce_max3A_9 = arith.xori %reduce_max3A_8, %reduce_max3A_6 : vector<16xi32>
    %reduce_max3A_10 = vector.extract %reduce_max3A_9[15] : i32 from vector<16xi32>
    %eq3A_11 = arith.constant 1 : i32
    %eq3A_12 = vector.broadcast %eq3A_11 : i32 to vector<16xi32>
    %eq3A_13 = arith.cmpi eq, %iota3A, %eq3A_12 : vector<16xi32>
    %jit3A_14 = arith.constant -2147483648 : i32
    %broadcast_in_dim3A_15 = vector.broadcast %jit3A_14 : i32 to vector<16xi32>
    %select_n3A_16 = arith.select %eq3A_13, %get3A_1, %broadcast_in_dim3A_15 : vector<16xi1>, vector<16xi32>
    %reduce_max3A_17 = arith.constant true
    %reduce_max3A_18 = vector.broadcast %reduce_max3A_17 : i1 to vector<16xi1>
    %reduce_max3A_19 = arith.constant -2147483648 : i32
    %reduce_max3A_20 = vector.broadcast %reduce_max3A_19 : i32 to vector<16xi32>
    %reduce_max3A_21 = arith.xori %select_n3A_16, %reduce_max3A_20 : vector<16xi32>
    %reduce_max3A_22 = tpu.scan <max>, %reduce_max3A_21 masked %reduce_max3A_18 : vector<16xi32>, vector<16xi1> -> vector<16xi32>
    %reduce_max3A_23 = arith.xori %reduce_max3A_22, %reduce_max3A_20 : vector<16xi32>
    %reduce_max3A_24 = vector.extract %reduce_max3A_23[15] : i32 from vector<16xi32>
    "tpu.region"() ({
      %run_scoped3A = tpu.sem_alloc : memref<!tpu.dma_semaphore, #tpu.memory_space<semaphore_mem>>
      %dma_start3A = arith.constant 0 : i32
      %dma_start3A_57 = tpu.memref_slice %arg3[%add3A, %dma_start3A] : memref<32x65536xi32, #tpu.memory_space<hbm>> -> memref<1x65536xi32, #tpu.memory_space<hbm>>
      %dma_start3A_58 = tpu.memref_squeeze %dma_start3A_57 : memref<1x65536xi32, #tpu.memory_space<hbm>> -> memref<65536xi32, #tpu.memory_space<hbm>>
      %dma_start3A_59 = arith.constant 0 : i32
      %dma_start3A_60 = tpu.memref_slice %arg3[%add3A, %dma_start3A_59] : memref<32x65536xi32, #tpu.memory_space<hbm>> -> memref<1x65536xi32, #tpu.memory_space<hbm>>
      %dma_start3A_61 = tpu.memref_squeeze %dma_start3A_60 : memref<1x65536xi32, #tpu.memory_space<hbm>> -> memref<65536xi32, #tpu.memory_space<hbm>>
      tpu.enqueue_dma source(%dma_start3A_61 : memref<65536xi32, #tpu.memory_space<hbm>>) target(%arg6 : memref<65536xi32, #tpu.memory_space<vmem>>) target_semaphore(%run_scoped3A : memref<!tpu.dma_semaphore, #tpu.memory_space<semaphore_mem>>)
      %dma_wait3A = arith.constant 0 : i32
      %dma_wait3A_62 = tpu.memref_slice %arg3[%add3A, %dma_wait3A] : memref<32x65536xi32, #tpu.memory_space<hbm>> -> memref<1x65536xi32, #tpu.memory_space<hbm>>
      %dma_wait3A_63 = tpu.memref_squeeze %dma_wait3A_62 : memref<1x65536xi32, #tpu.memory_space<hbm>> -> memref<65536xi32, #tpu.memory_space<hbm>>
      %dma_wait3A_64 = arith.constant 0 : i32
      %dma_wait3A_65 = tpu.memref_slice %arg3[%add3A, %dma_wait3A_64] : memref<32x65536xi32, #tpu.memory_space<hbm>> -> memref<1x65536xi32, #tpu.memory_space<hbm>>
      %dma_wait3A_66 = tpu.memref_squeeze %dma_wait3A_65 : memref<1x65536xi32, #tpu.memory_space<hbm>> -> memref<65536xi32, #tpu.memory_space<hbm>>
      tpu.wait_dma2 semaphore(%run_scoped3A : memref<!tpu.dma_semaphore, #tpu.memory_space<semaphore_mem>>) src(%dma_wait3A_66 : memref<65536xi32, #tpu.memory_space<hbm>>) dst(%arg6 : memref<65536xi32, #tpu.memory_space<vmem>>)
      tpu.yield
    }) : () -> ()
    %scan3A = arith.constant 0 : i32
    %scan3A_25 = arith.constant 0 : i32
    %scan3A_26 = arith.constant 0 : i32
    %scan3A_27 = arith.constant 0 : i32
    %scan3A_28 = arith.constant 0 : i32
    %scan3A_29 = arith.constant 1024 : i32
    %scan3A_30 = arith.addi %scan3A_28, %scan3A_29 : i32
    %scan3A_31 = arith.constant 1 : i32
    %scan3A_32:4 = scf.for %scan3A_57 = %scan3A_28 to %scan3A_30 step %scan3A_31 iter_args(%scan3A_58 = %scan3A, %scan3A_59 = %scan3A_25, %scan3A_60 = %scan3A_26, %scan3A_61 = %scan3A_27) -> (i32, i32, i32, i32)  : i32 {
      %add3A_62 = arith.constant 0 : i32
      %add3A_63 = arith.addi %add3A_62, %scan3A_57 : i32
      %mul3A_64 = arith.constant 16 : i32
      %mul3A_65 = arith.muli %add3A_63, %mul3A_64 : i32
      %get3A_66 = arith.index_cast %mul3A_65 : i32 to index
      %get3A_67 = tpu.vector_load %arg6[%get3A_66] {strides = array<i32>} : memref<65536xi32, #tpu.memory_space<vmem>>, vector<16xi32>,
      %ge3A = vector.broadcast %reduce_max3A_10 : i32 to vector<16xi32>
      %ge3A_68 = arith.cmpi sge, %get3A_67, %ge3A : vector<16xi32>
      %lt3A = vector.broadcast %reduce_max3A_24 : i32 to vector<16xi32>
      %lt3A_69 = arith.cmpi slt, %get3A_67, %lt3A : vector<16xi32>
      %and3A = arith.andi %ge3A_68, %lt3A_69 : vector<16xi1>
      %all_reduce_population_count3A = tpu.all_reduce %and3A {dim = 0 : i64, kind = #tpu.reduction_kind<sum>} : vector<16xi1> -> vector<16xi32>
      %reduce_max3A_70 = arith.constant true
      %reduce_max3A_71 = vector.broadcast %reduce_max3A_70 : i1 to vector<16xi1>
      %reduce_max3A_72 = arith.constant -2147483648 : i32
      %reduce_max3A_73 = vector.broadcast %reduce_max3A_72 : i32 to vector<16xi32>
      %reduce_max3A_74 = arith.xori %all_reduce_population_count3A, %reduce_max3A_73 : vector<16xi32>
      %reduce_max3A_75 = tpu.scan <max>, %reduce_max3A_74 masked %reduce_max3A_71 : vector<16xi32>, vector<16xi1> -> vector<16xi32>
      %reduce_max3A_76 = arith.xori %reduce_max3A_75, %reduce_max3A_73 : vector<16xi32>
      %reduce_max3A_77 = vector.extract %reduce_max3A_76[15] : i32 from vector<16xi32>
      %le3A = arith.constant 1008 : i32
      %le3A_78 = arith.cmpi sle, %scan3A_58, %le3A : i32
      %convert_element_type3A = arith.extui %le3A_78 : i1 to i32
      %cond3A = arith.constant 0 : i32
      %cond3A_79 = arith.cmpi ne, %convert_element_type3A, %cond3A : i32
      scf.if %cond3A_79 {
        %add3A_159 = arith.constant 0 : i32
        %add3A_160 = arith.addi %add3A_159, %scan3A_58 : i32
        %swap3A_161 = arith.index_cast %add3A_160 : i32 to index
        %swap3A_162 = tpu.vector_load %arg7[%swap3A_161] masked %and3A {strides = array<i32>} : memref<4096xi32, #tpu.memory_space<vmem>>, vector<16xi32>, vector<16xi1>
        tpu.vector_store %arg7[%swap3A_161], %get3A_67 masked %and3A {strides = array<i32>} : memref<4096xi32, #tpu.memory_space<vmem>>, vector<16xi32>, vector<16xi1>
      } else {
      }
      %add3A_80 = arith.addi %scan3A_58, %reduce_max3A_77 : i32
      %add3A_81 = arith.constant 1024 : i32
      %add3A_82 = arith.addi %add3A_81, %scan3A_57 : i32
      %mul3A_83 = arith.constant 16 : i32
      %mul3A_84 = arith.muli %add3A_82, %mul3A_83 : i32
      %get3A_85 = arith.index_cast %mul3A_84 : i32 to index
      %get3A_86 = tpu.vector_load %arg6[%get3A_85] {strides = array<i32>} : memref<65536xi32, #tpu.memory_space<vmem>>, vector<16xi32>,
      %ge3A_87 = vector.broadcast %reduce_max3A_10 : i32 to vector<16xi32>
      %ge3A_88 = arith.cmpi sge, %get3A_86, %ge3A_87 : vector<16xi32>
      %lt3A_89 = vector.broadcast %reduce_max3A_24 : i32 to vector<16xi32>
      %lt3A_90 = arith.cmpi slt, %get3A_86, %lt3A_89 : vector<16xi32>
      %and3A_91 = arith.andi %ge3A_88, %lt3A_90 : vector<16xi1>
      %all_reduce_population_count3A_92 = tpu.all_reduce %and3A_91 {dim = 0 : i64, kind = #tpu.reduction_kind<sum>} : vector<16xi1> -> vector<16xi32>
      %reduce_max3A_93 = arith.constant true
      %reduce_max3A_94 = vector.broadcast %reduce_max3A_93 : i1 to vector<16xi1>
      %reduce_max3A_95 = arith.constant -2147483648 : i32
      %reduce_max3A_96 = vector.broadcast %reduce_max3A_95 : i32 to vector<16xi32>
      %reduce_max3A_97 = arith.xori %all_reduce_population_count3A_92, %reduce_max3A_96 : vector<16xi32>
      %reduce_max3A_98 = tpu.scan <max>, %reduce_max3A_97 masked %reduce_max3A_94 : vector<16xi32>, vector<16xi1> -> vector<16xi32>
      %reduce_max3A_99 = arith.xori %reduce_max3A_98, %reduce_max3A_96 : vector<16xi32>
      %reduce_max3A_100 = vector.extract %reduce_max3A_99[15] : i32 from vector<16xi32>
      %le3A_101 = arith.constant 1008 : i32
      %le3A_102 = arith.cmpi sle, %scan3A_59, %le3A_101 : i32
      %convert_element_type3A_103 = arith.extui %le3A_102 : i1 to i32
      %cond3A_104 = arith.constant 0 : i32
      %cond3A_105 = arith.cmpi ne, %convert_element_type3A_103, %cond3A_104 : i32
      scf.if %cond3A_105 {
        %add3A_159 = arith.constant 1024 : i32
        %add3A_160 = arith.addi %add3A_159, %scan3A_59 : i32
        %swap3A_161 = arith.index_cast %add3A_160 : i32 to index
        %swap3A_162 = tpu.vector_load %arg7[%swap3A_161] masked %and3A_91 {strides = array<i32>} : memref<4096xi32, #tpu.memory_space<vmem>>, vector<16xi32>, vector<16xi1>
        tpu.vector_store %arg7[%swap3A_161], %get3A_86 masked %and3A_91 {strides = array<i32>} : memref<4096xi32, #tpu.memory_space<vmem>>, vector<16xi32>, vector<16xi1>
      } else {
      }
      %add3A_106 = arith.addi %scan3A_59, %reduce_max3A_100 : i32
      %add3A_107 = arith.constant 2048 : i32
      %add3A_108 = arith.addi %add3A_107, %scan3A_57 : i32
      %mul3A_109 = arith.constant 16 : i32
      %mul3A_110 = arith.muli %add3A_108, %mul3A_109 : i32
      %get3A_111 = arith.index_cast %mul3A_110 : i32 to index
      %get3A_112 = tpu.vector_load %arg6[%get3A_111] {strides = array<i32>} : memref<65536xi32, #tpu.memory_space<vmem>>, vector<16xi32>,
      %ge3A_113 = vector.broadcast %reduce_max3A_10 : i32 to vector<16xi32>
      %ge3A_114 = arith.cmpi sge, %get3A_112, %ge3A_113 : vector<16xi32>
      %lt3A_115 = vector.broadcast %reduce_max3A_24 : i32 to vector<16xi32>
      %lt3A_116 = arith.cmpi slt, %get3A_112, %lt3A_115 : vector<16xi32>
      %and3A_117 = arith.andi %ge3A_114, %lt3A_116 : vector<16xi1>
      %all_reduce_population_count3A_118 = tpu.all_reduce %and3A_117 {dim = 0 : i64, kind = #tpu.reduction_kind<sum>} : vector<16xi1> -> vector<16xi32>
      %reduce_max3A_119 = arith.constant true
      %reduce_max3A_120 = vector.broadcast %reduce_max3A_119 : i1 to vector<16xi1>
      %reduce_max3A_121 = arith.constant -2147483648 : i32
      %reduce_max3A_122 = vector.broadcast %reduce_max3A_121 : i32 to vector<16xi32>
      %reduce_max3A_123 = arith.xori %all_reduce_population_count3A_118, %reduce_max3A_122 : vector<16xi32>
      %reduce_max3A_124 = tpu.scan <max>, %reduce_max3A_123 masked %reduce_max3A_120 : vector<16xi32>, vector<16xi1> -> vector<16xi32>
      %reduce_max3A_125 = arith.xori %reduce_max3A_124, %reduce_max3A_122 : vector<16xi32>
      %reduce_max3A_126 = vector.extract %reduce_max3A_125[15] : i32 from vector<16xi32>
      %le3A_127 = arith.constant 1008 : i32
      %le3A_128 = arith.cmpi sle, %scan3A_60, %le3A_127 : i32
      %convert_element_type3A_129 = arith.extui %le3A_128 : i1 to i32
      %cond3A_130 = arith.constant 0 : i32
      %cond3A_131 = arith.cmpi ne, %convert_element_type3A_129, %cond3A_130 : i32
      scf.if %cond3A_131 {
        %add3A_159 = arith.constant 2048 : i32
        %add3A_160 = arith.addi %add3A_159, %scan3A_60 : i32
        %swap3A_161 = arith.index_cast %add3A_160 : i32 to index
        %swap3A_162 = tpu.vector_load %arg7[%swap3A_161] masked %and3A_117 {strides = array<i32>} : memref<4096xi32, #tpu.memory_space<vmem>>, vector<16xi32>, vector<16xi1>
        tpu.vector_store %arg7[%swap3A_161], %get3A_112 masked %and3A_117 {strides = array<i32>} : memref<4096xi32, #tpu.memory_space<vmem>>, vector<16xi32>, vector<16xi1>
      } else {
      }
      %add3A_132 = arith.addi %scan3A_60, %reduce_max3A_126 : i32
      %add3A_133 = arith.constant 3072 : i32
      %add3A_134 = arith.addi %add3A_133, %scan3A_57 : i32
      %mul3A_135 = arith.constant 16 : i32
      %mul3A_136 = arith.muli %add3A_134, %mul3A_135 : i32
      %get3A_137 = arith.index_cast %mul3A_136 : i32 to index
      %get3A_138 = tpu.vector_load %arg6[%get3A_137] {strides = array<i32>} : memref<65536xi32, #tpu.memory_space<vmem>>, vector<16xi32>,
      %ge3A_139 = vector.broadcast %reduce_max3A_10 : i32 to vector<16xi32>
      %ge3A_140 = arith.cmpi sge, %get3A_138, %ge3A_139 : vector<16xi32>
      %lt3A_141 = vector.broadcast %reduce_max3A_24 : i32 to vector<16xi32>
      %lt3A_142 = arith.cmpi slt, %get3A_138, %lt3A_141 : vector<16xi32>
      %and3A_143 = arith.andi %ge3A_140, %lt3A_142 : vector<16xi1>
      %all_reduce_population_count3A_144 = tpu.all_reduce %and3A_143 {dim = 0 : i64, kind = #tpu.reduction_kind<sum>} : vector<16xi1> -> vector<16xi32>
      %reduce_max3A_145 = arith.constant true
      %reduce_max3A_146 = vector.broadcast %reduce_max3A_145 : i1 to vector<16xi1>
      %reduce_max3A_147 = arith.constant -2147483648 : i32
      %reduce_max3A_148 = vector.broadcast %reduce_max3A_147 : i32 to vector<16xi32>
      %reduce_max3A_149 = arith.xori %all_reduce_population_count3A_144, %reduce_max3A_148 : vector<16xi32>
      %reduce_max3A_150 = tpu.scan <max>, %reduce_max3A_149 masked %reduce_max3A_146 : vector<16xi32>, vector<16xi1> -> vector<16xi32>
      %reduce_max3A_151 = arith.xori %reduce_max3A_150, %reduce_max3A_148 : vector<16xi32>
      %reduce_max3A_152 = vector.extract %reduce_max3A_151[15] : i32 from vector<16xi32>
      %le3A_153 = arith.constant 1008 : i32
      %le3A_154 = arith.cmpi sle, %scan3A_61, %le3A_153 : i32
      %convert_element_type3A_155 = arith.extui %le3A_154 : i1 to i32
      %cond3A_156 = arith.constant 0 : i32
      %cond3A_157 = arith.cmpi ne, %convert_element_type3A_155, %cond3A_156 : i32
      scf.if %cond3A_157 {
        %add3A_159 = arith.constant 3072 : i32
        %add3A_160 = arith.addi %add3A_159, %scan3A_61 : i32
        %swap3A_161 = arith.index_cast %add3A_160 : i32 to index
        %swap3A_162 = tpu.vector_load %arg7[%swap3A_161] masked %and3A_143 {strides = array<i32>} : memref<4096xi32, #tpu.memory_space<vmem>>, vector<16xi32>, vector<16xi1>
        tpu.vector_store %arg7[%swap3A_161], %get3A_138 masked %and3A_143 {strides = array<i32>} : memref<4096xi32, #tpu.memory_space<vmem>>, vector<16xi32>, vector<16xi1>
      } else {
      }
      %add3A_158 = arith.addi %scan3A_61, %reduce_max3A_152 : i32
      scf.yield %add3A_80, %add3A_106, %add3A_132, %add3A_158 : i32, i32, i32, i32
    }
    %scan3A_33 = arith.constant 1024 : i32
    %broadcast_in_dim3A_34 = arith.constant 0 : i32
    %broadcast_in_dim3A_35 = vector.broadcast %broadcast_in_dim3A_34 : i32 to vector<16xi32>
    %eq3A_36 = arith.constant 0 : i32
    %eq3A_37 = vector.broadcast %eq3A_36 : i32 to vector<16xi32>
    %eq3A_38 = arith.cmpi eq, %iota3A, %eq3A_37 : vector<16xi32>
    %broadcast_in_dim3A_39 = vector.broadcast %scan3A_32#0 : i32 to vector<16xi32>
    %select_n3A_40 = arith.select %eq3A_38, %broadcast_in_dim3A_39, %broadcast_in_dim3A_35 : vector<16xi1>, vector<16xi32>
    %eq3A_41 = arith.constant 1 : i32
    %eq3A_42 = vector.broadcast %eq3A_41 : i32 to vector<16xi32>
    %eq3A_43 = arith.cmpi eq, %iota3A, %eq3A_42 : vector<16xi32>
    %broadcast_in_dim3A_44 = vector.broadcast %scan3A_32#1 : i32 to vector<16xi32>
    %select_n3A_45 = arith.select %eq3A_43, %broadcast_in_dim3A_44, %select_n3A_40 : vector<16xi1>, vector<16xi32>
    %eq3A_46 = arith.constant 2 : i32
    %eq3A_47 = vector.broadcast %eq3A_46 : i32 to vector<16xi32>
    %eq3A_48 = arith.cmpi eq, %iota3A, %eq3A_47 : vector<16xi32>
    %broadcast_in_dim3A_49 = vector.broadcast %scan3A_32#2 : i32 to vector<16xi32>
    %select_n3A_50 = arith.select %eq3A_48, %broadcast_in_dim3A_49, %select_n3A_45 : vector<16xi1>, vector<16xi32>
    %eq3A_51 = arith.constant 3 : i32
    %eq3A_52 = vector.broadcast %eq3A_51 : i32 to vector<16xi32>
    %eq3A_53 = arith.cmpi eq, %iota3A, %eq3A_52 : vector<16xi32>
    %broadcast_in_dim3A_54 = vector.broadcast %scan3A_32#3 : i32 to vector<16xi32>
    %select_n3A_55 = arith.select %eq3A_53, %broadcast_in_dim3A_54, %select_n3A_50 : vector<16xi1>, vector<16xi32>
    %swap3A = arith.constant 0 : index
    %swap3A_56 = tpu.vector_load %arg8[%swap3A] {strides = array<i32>} : memref<16xi32, #tpu.memory_space<vmem>>, vector<16xi32>,
    tpu.vector_store %arg8[%swap3A], %select_n3A_55 {strides = array<i32>} : memref<16xi32, #tpu.memory_space<vmem>>, vector<16xi32>,
    "tpu.region"() ({
      %run_scoped3A = tpu.sem_alloc : memref<!tpu.dma_semaphore, #tpu.memory_space<semaphore_mem>>
      %dma_start3A = arith.constant 0 : i32
      %dma_start3A_57 = tpu.memref_slice %arg5[%add3A, %dma_start3A] : memref<32x16xi32, #tpu.memory_space<hbm>> -> memref<1x16xi32, #tpu.memory_space<hbm>>
      %dma_start3A_58 = tpu.memref_squeeze %dma_start3A_57 : memref<1x16xi32, #tpu.memory_space<hbm>> -> memref<16xi32, #tpu.memory_space<hbm>>
      %dma_start3A_59 = arith.constant 0 : i32
      %dma_start3A_60 = tpu.memref_slice %arg5[%add3A, %dma_start3A_59] : memref<32x16xi32, #tpu.memory_space<hbm>> -> memref<1x16xi32, #tpu.memory_space<hbm>>
      %dma_start3A_61 = tpu.memref_squeeze %dma_start3A_60 : memref<1x16xi32, #tpu.memory_space<hbm>> -> memref<16xi32, #tpu.memory_space<hbm>>
      tpu.enqueue_dma source(%arg8 : memref<16xi32, #tpu.memory_space<vmem>>) target(%dma_start3A_61 : memref<16xi32, #tpu.memory_space<hbm>>) target_semaphore(%run_scoped3A : memref<!tpu.dma_semaphore, #tpu.memory_space<semaphore_mem>>)
      %dma_wait3A = arith.constant 0 : i32
      %dma_wait3A_62 = tpu.memref_slice %arg5[%add3A, %dma_wait3A] : memref<32x16xi32, #tpu.memory_space<hbm>> -> memref<1x16xi32, #tpu.memory_space<hbm>>
      %dma_wait3A_63 = tpu.memref_squeeze %dma_wait3A_62 : memref<1x16xi32, #tpu.memory_space<hbm>> -> memref<16xi32, #tpu.memory_space<hbm>>
      %dma_wait3A_64 = arith.constant 0 : i32
      %dma_wait3A_65 = tpu.memref_slice %arg5[%add3A, %dma_wait3A_64] : memref<32x16xi32, #tpu.memory_space<hbm>> -> memref<1x16xi32, #tpu.memory_space<hbm>>
      %dma_wait3A_66 = tpu.memref_squeeze %dma_wait3A_65 : memref<1x16xi32, #tpu.memory_space<hbm>> -> memref<16xi32, #tpu.memory_space<hbm>>
      tpu.wait_dma2 semaphore(%run_scoped3A : memref<!tpu.dma_semaphore, #tpu.memory_space<semaphore_mem>>) src(%arg8 : memref<16xi32, #tpu.memory_space<vmem>>) dst(%dma_wait3A_66 : memref<16xi32, #tpu.memory_space<hbm>>)
      tpu.yield
    }) : () -> ()
    "tpu.region"() ({
      %run_scoped3A = tpu.sem_alloc : memref<!tpu.dma_semaphore, #tpu.memory_space<semaphore_mem>>
      %dma_start3A = arith.constant 0 : i32
      %dma_start3A_57 = tpu.memref_slice %arg4[%add3A, %dma_start3A] : memref<32x4096xi32, #tpu.memory_space<hbm>> -> memref<1x4096xi32, #tpu.memory_space<hbm>>
      %dma_start3A_58 = tpu.memref_squeeze %dma_start3A_57 : memref<1x4096xi32, #tpu.memory_space<hbm>> -> memref<4096xi32, #tpu.memory_space<hbm>>
      %dma_start3A_59 = arith.constant 0 : i32
      %dma_start3A_60 = tpu.memref_slice %arg4[%add3A, %dma_start3A_59] : memref<32x4096xi32, #tpu.memory_space<hbm>> -> memref<1x4096xi32, #tpu.memory_space<hbm>>
      %dma_start3A_61 = tpu.memref_squeeze %dma_start3A_60 : memref<1x4096xi32, #tpu.memory_space<hbm>> -> memref<4096xi32, #tpu.memory_space<hbm>>
      tpu.enqueue_dma source(%arg7 : memref<4096xi32, #tpu.memory_space<vmem>>) target(%dma_start3A_61 : memref<4096xi32, #tpu.memory_space<hbm>>) target_semaphore(%run_scoped3A : memref<!tpu.dma_semaphore, #tpu.memory_space<semaphore_mem>>)
      %dma_wait3A = arith.constant 0 : i32
      %dma_wait3A_62 = tpu.memref_slice %arg4[%add3A, %dma_wait3A] : memref<32x4096xi32, #tpu.memory_space<hbm>> -> memref<1x4096xi32, #tpu.memory_space<hbm>>
      %dma_wait3A_63 = tpu.memref_squeeze %dma_wait3A_62 : memref<1x4096xi32, #tpu.memory_space<hbm>> -> memref<4096xi32, #tpu.memory_space<hbm>>
      %dma_wait3A_64 = arith.constant 0 : i32
      %dma_wait3A_65 = tpu.memref_slice %arg4[%add3A, %dma_wait3A_64] : memref<32x4096xi32, #tpu.memory_space<hbm>> -> memref<1x4096xi32, #tpu.memory_space<hbm>>
      %dma_wait3A_66 = tpu.memref_squeeze %dma_wait3A_65 : memref<1x4096xi32, #tpu.memory_space<hbm>> -> memref<4096xi32, #tpu.memory_space<hbm>>
      tpu.wait_dma2 semaphore(%run_scoped3A : memref<!tpu.dma_semaphore, #tpu.memory_space<semaphore_mem>>) src(%arg7 : memref<4096xi32, #tpu.memory_space<vmem>>) dst(%dma_wait3A_66 : memref<4096xi32, #tpu.memory_space<hbm>>)
      tpu.yield
    }) : () -> ()
    return
  }
}

module attributes {stable_mosaic.version = 14 : i64} {
  func.func @_tc1_body(%arg0: i32, %arg1: memref<4xf32, #tpu.memory_space<smem>>, %arg2: memref<256x16xf32, #tpu.memory_space<vmem>>, %arg3: memref<16x1024xf32, #tpu.memory_space<vmem>>, %arg4: memref<256x1024xf32, #tpu.memory_space<vmem>>, %arg5: memref<256x1024xf32, #tpu.memory_space<vmem>>, %arg6: memref<256x1024xi32, #tpu.memory_space<vmem>>, %arg7: memref<1x128xi32, #tpu.memory_space<vmem>>, %arg8: memref<8xi32, #tpu.memory_space<smem>>) attributes {dimension_semantics = [#tpu.dimension_semantics<arbitrary>], iteration_bounds = array<i64: 8>, scalar_prefetch = 0 : i64, scratch_operands = 1 : i64, tpu.core_type = #tpu.core_type<tc>, window_params = [{transform_indices = @transform_0, window_bounds = array<i64: 4>}, {transform_indices = @transform_1, window_bounds = array<i64: 256, 16>}, {pipeline_mode = #tpu.pipeline_mode<synchronous>, transform_indices = @transform_2, window_bounds = array<i64: 16, 1024>}, {transform_indices = @transform_3, window_bounds = array<i64: 256, 1024>}, {transform_indices = @transform_4, window_bounds = array<i64: 256, 1024>}, {transform_indices = @transform_5, window_bounds = array<i64: 256, 1024>}, {pipeline_mode = #tpu.pipeline_mode<synchronous>, transform_indices = @transform_6, window_bounds = array<i64: 1, 128>}]} {
    %get3A = arith.constant 0 : index
    %get3A_0 = memref.load %arg1[%get3A] : memref<4xf32, #tpu.memory_space<smem>>
    %get3A_1 = arith.constant 1 : index
    %get3A_2 = memref.load %arg1[%get3A_1] : memref<4xf32, #tpu.memory_space<smem>>
    %get3A_3 = arith.constant 2 : index
    %get3A_4 = memref.load %arg1[%get3A_3] : memref<4xf32, #tpu.memory_space<smem>>
    %get3A_5 = arith.constant 0 : index
    %get3A_6 = arith.constant 0 : index
    %get3A_7 = vector.load %arg2[%get3A_5, %get3A_6] : memref<256x16xf32, #tpu.memory_space<vmem>>, vector<256x16xf32>
    %get3A_8 = arith.constant 0 : index
    %get3A_9 = arith.constant 0 : index
    %get3A_10 = vector.load %arg3[%get3A_8, %get3A_9] : memref<16x1024xf32, #tpu.memory_space<vmem>>, vector<16x1024xf32>
    %dot_general3A = arith.constant dense<0.000000e+00> : vector<256x1024xf32>
    %dot_general3A_11 = tpu.matmul %get3A_7, %get3A_10, %dot_general3A {dimension_numbers = #tpu.dot_dimension_numbers<[1], [0], [0], [1], [0, 0, 1, 1], [], []>, transpose_lhs_hint = false} : vector<256x16xf32>, vector<16x1024xf32>, vector<256x1024xf32> -> vector<256x1024xf32>
    %mul3A = vector.broadcast %get3A_2 : f32 to vector<256x1024xf32>
    %mul3A_12 = arith.mulf %dot_general3A_11, %mul3A : vector<256x1024xf32>
    %get3A_13 = arith.constant 0 : index
    %get3A_14 = arith.constant 0 : index
    %get3A_15 = vector.load %arg4[%get3A_13, %get3A_14] : memref<256x1024xf32, #tpu.memory_space<vmem>>, vector<256x1024xf32>
    %mul3A_16 = vector.broadcast %get3A_0 : f32 to vector<256x1024xf32>
    %mul3A_17 = arith.mulf %get3A_15, %mul3A_16 : vector<256x1024xf32>
    %add3A = arith.addf %mul3A_17, %mul3A_12 : vector<256x1024xf32>
    %swap3A = arith.constant 0 : index
    %swap3A_18 = arith.constant 0 : index
    %swap3A_19 = vector.load %arg5[%swap3A, %swap3A_18] : memref<256x1024xf32, #tpu.memory_space<vmem>>, vector<256x1024xf32>
    tpu.vector_store %arg5[%swap3A, %swap3A_18], %add3A {strides = array<i32>} : memref<256x1024xf32, #tpu.memory_space<vmem>>, vector<256x1024xf32>,
    %abs3A = math.absf %add3A : vector<256x1024xf32>
    %bitcast_convert_type3A = tpu.bitcast %abs3A : vector<256x1024xf32> -> vector<256x1024xi32>
    %swap3A_20 = arith.constant 0 : index
    %swap3A_21 = arith.constant 0 : index
    %swap3A_22 = vector.load %arg6[%swap3A_20, %swap3A_21] : memref<256x1024xi32, #tpu.memory_space<vmem>>, vector<256x1024xi32>
    tpu.vector_store %arg6[%swap3A_20, %swap3A_21], %bitcast_convert_type3A {strides = array<i32>} : memref<256x1024xi32, #tpu.memory_space<vmem>>, vector<256x1024xi32>,
    %abs3A_23 = math.absf %add3A : vector<256x1024xf32>
    %gt3A = vector.broadcast %get3A_4 : f32 to vector<256x1024xf32>
    %gt3A_24 = arith.cmpf ogt, %abs3A_23, %gt3A : vector<256x1024xf32>
    %convert_element_type3A = arith.extui %gt3A_24 : vector<256x1024xi1> to vector<256x1024xi32>
    %reduce_sum3A = vector.shape_cast %convert_element_type3A : vector<256x1024xi32> to vector<1x256x1024xi32>
    %reduce_sum3A_25 = arith.constant dense<0> : vector<1xi32>
    %reduce_sum3A_26 = vector.multi_reduction <add>, %reduce_sum3A, %reduce_sum3A_25 [1, 2] : vector<1x256x1024xi32> to vector<1xi32>
    %reduce_sum3A_27 = vector.shape_cast %reduce_sum3A_26 : vector<1xi32> to vector<1x1x1xi32>
    %reduce_sum3A_28 = vector.extract %reduce_sum3A_27[0, 0, 0] : i32 from vector<1x1x1xi32>
    %eq3A = arith.constant 0 : i32
    %eq3A_29 = arith.cmpi eq, %arg0, %eq3A : i32
    %convert_element_type3A_30 = arith.extui %eq3A_29 : i1 to i32
    %cond3A = arith.constant 0 : i32
    %cond3A_31 = arith.cmpi ne, %convert_element_type3A_30, %cond3A : i32
    scf.if %cond3A_31 {
      %slice3A = vector.extract_strided_slice %bitcast_convert_type3A {offsets = [0, 0], sizes = [64, 1024], strides = [1, 1]} : vector<256x1024xi32> to vector<64x1024xi32>
      %scan3A = arith.constant 0 : i32
      %scan3A_42 = arith.constant 2139095040 : i32
      %scan3A_43 = arith.constant 0 : i32
      %scan3A_44 = arith.constant 22 : i32
      %scan3A_45 = arith.addi %scan3A_43, %scan3A_44 : i32
      %scan3A_46 = arith.constant 1 : i32
      %scan3A_47:2 = scf.for %scan3A_81 = %scan3A_43 to %scan3A_45 step %scan3A_46 iter_args(%scan3A_82 = %scan3A, %scan3A_83 = %scan3A_42) -> (i32, i32)  : i32 {
        %sub3A = arith.subi %scan3A_83, %scan3A_82 : i32
        %jit3A = arith.constant 2 : i32
        %div3A = arith.divsi %sub3A, %jit3A : i32
        %sign3A = arith.constant 0 : i32
        %sign3A_84 = arith.cmpi sgt, %sub3A, %sign3A : i32
        %sign3A_85 = arith.extui %sign3A_84 : i1 to i32
        %sign3A_86 = arith.constant 0 : i32
        %sign3A_87 = arith.cmpi slt, %sub3A, %sign3A_86 : i32
        %sign3A_88 = arith.extui %sign3A_87 : i1 to i32
        %sign3A_89 = arith.subi %sign3A_85, %sign3A_88 : i32
        %sign3A_90 = arith.constant 0 : i32
        %sign3A_91 = arith.cmpi sgt, %jit3A, %sign3A_90 : i32
        %sign3A_92 = arith.extui %sign3A_91 : i1 to i32
        %sign3A_93 = arith.constant 0 : i32
        %sign3A_94 = arith.cmpi slt, %jit3A, %sign3A_93 : i32
        %sign3A_95 = arith.extui %sign3A_94 : i1 to i32
        %sign3A_96 = arith.subi %sign3A_92, %sign3A_95 : i32
        %ne3A = arith.cmpi ne, %sign3A_89, %sign3A_96 : i32
        %rem3A = arith.remsi %sub3A, %jit3A : i32
        %ne3A_97 = arith.constant 0 : i32
        %ne3A_98 = arith.cmpi ne, %rem3A, %ne3A_97 : i32
        %and3A_99 = arith.andi %ne3A, %ne3A_98 : i1
        %sub3A_100 = arith.constant 1 : i32
        %sub3A_101 = arith.subi %div3A, %sub3A_100 : i32
        %select_n3A = arith.select %and3A_99, %sub3A_101, %div3A : i32
        %add3A_102 = arith.addi %scan3A_82, %select_n3A : i32
        %ge3A_103 = vector.broadcast %add3A_102 : i32 to vector<64x1024xi32>
        %ge3A_104 = arith.cmpi sge, %slice3A, %ge3A_103 : vector<64x1024xi32>
        %convert_element_type3A_105 = arith.extui %ge3A_104 : vector<64x1024xi1> to vector<64x1024xi32>
        %reduce_sum3A_106 = vector.shape_cast %convert_element_type3A_105 : vector<64x1024xi32> to vector<1x64x1024xi32>
        %reduce_sum3A_107 = arith.constant dense<0> : vector<1xi32>
        %reduce_sum3A_108 = vector.multi_reduction <add>, %reduce_sum3A_106, %reduce_sum3A_107 [1, 2] : vector<1x64x1024xi32> to vector<1xi32>
        %reduce_sum3A_109 = vector.shape_cast %reduce_sum3A_108 : vector<1xi32> to vector<1x1x1xi32>
        %reduce_sum3A_110 = vector.extract %reduce_sum3A_109[0, 0, 0] : i32 from vector<1x1x1xi32>
        %ge3A_111 = arith.constant 7033 : i32
        %ge3A_112 = arith.cmpi sge, %reduce_sum3A_110, %ge3A_111 : i32
        %select_n3A_113 = arith.select %ge3A_112, %add3A_102, %scan3A_82 : i32
        %select_n3A_114 = arith.select %ge3A_112, %scan3A_83, %add3A_102 : i32
        scf.yield %select_n3A_113, %select_n3A_114 : i32, i32
      }
      %scan3A_48 = arith.constant 0 : i32
      %scan3A_49 = arith.constant 2139095040 : i32
      %scan3A_50 = arith.constant 0 : i32
      %scan3A_51 = arith.constant 22 : i32
      %scan3A_52 = arith.addi %scan3A_50, %scan3A_51 : i32
      %scan3A_53 = arith.constant 1 : i32
      %scan3A_54:2 = scf.for %scan3A_81 = %scan3A_50 to %scan3A_52 step %scan3A_53 iter_args(%scan3A_82 = %scan3A_48, %scan3A_83 = %scan3A_49) -> (i32, i32)  : i32 {
        %sub3A = arith.subi %scan3A_83, %scan3A_82 : i32
        %jit3A = arith.constant 2 : i32
        %div3A = arith.divsi %sub3A, %jit3A : i32
        %sign3A = arith.constant 0 : i32
        %sign3A_84 = arith.cmpi sgt, %sub3A, %sign3A : i32
        %sign3A_85 = arith.extui %sign3A_84 : i1 to i32
        %sign3A_86 = arith.constant 0 : i32
        %sign3A_87 = arith.cmpi slt, %sub3A, %sign3A_86 : i32
        %sign3A_88 = arith.extui %sign3A_87 : i1 to i32
        %sign3A_89 = arith.subi %sign3A_85, %sign3A_88 : i32
        %sign3A_90 = arith.constant 0 : i32
        %sign3A_91 = arith.cmpi sgt, %jit3A, %sign3A_90 : i32
        %sign3A_92 = arith.extui %sign3A_91 : i1 to i32
        %sign3A_93 = arith.constant 0 : i32
        %sign3A_94 = arith.cmpi slt, %jit3A, %sign3A_93 : i32
        %sign3A_95 = arith.extui %sign3A_94 : i1 to i32
        %sign3A_96 = arith.subi %sign3A_92, %sign3A_95 : i32
        %ne3A = arith.cmpi ne, %sign3A_89, %sign3A_96 : i32
        %rem3A = arith.remsi %sub3A, %jit3A : i32
        %ne3A_97 = arith.constant 0 : i32
        %ne3A_98 = arith.cmpi ne, %rem3A, %ne3A_97 : i32
        %and3A_99 = arith.andi %ne3A, %ne3A_98 : i1
        %sub3A_100 = arith.constant 1 : i32
        %sub3A_101 = arith.subi %div3A, %sub3A_100 : i32
        %select_n3A = arith.select %and3A_99, %sub3A_101, %div3A : i32
        %add3A_102 = arith.addi %scan3A_82, %select_n3A : i32
        %ge3A_103 = vector.broadcast %add3A_102 : i32 to vector<64x1024xi32>
        %ge3A_104 = arith.cmpi sge, %slice3A, %ge3A_103 : vector<64x1024xi32>
        %convert_element_type3A_105 = arith.extui %ge3A_104 : vector<64x1024xi1> to vector<64x1024xi32>
        %reduce_sum3A_106 = vector.shape_cast %convert_element_type3A_105 : vector<64x1024xi32> to vector<1x64x1024xi32>
        %reduce_sum3A_107 = arith.constant dense<0> : vector<1xi32>
        %reduce_sum3A_108 = vector.multi_reduction <add>, %reduce_sum3A_106, %reduce_sum3A_107 [1, 2] : vector<1x64x1024xi32> to vector<1xi32>
        %reduce_sum3A_109 = vector.shape_cast %reduce_sum3A_108 : vector<1xi32> to vector<1x1x1xi32>
        %reduce_sum3A_110 = vector.extract %reduce_sum3A_109[0, 0, 0] : i32 from vector<1x1x1xi32>
        %ge3A_111 = arith.constant 6073 : i32
        %ge3A_112 = arith.cmpi sge, %reduce_sum3A_110, %ge3A_111 : i32
        %select_n3A_113 = arith.select %ge3A_112, %add3A_102, %scan3A_82 : i32
        %select_n3A_114 = arith.select %ge3A_112, %scan3A_83, %add3A_102 : i32
        scf.yield %select_n3A_113, %select_n3A_114 : i32, i32
      }
      %swap3A_55 = arith.constant 0 : index
      %swap3A_56 = memref.load %arg8[%swap3A_55] : memref<8xi32, #tpu.memory_space<smem>>
      memref.store %reduce_sum3A_28, %arg8[%swap3A_55] : memref<8xi32, #tpu.memory_space<smem>>
      %ge3A = vector.broadcast %scan3A_54#0 : i32 to vector<256x1024xi32>
      %ge3A_57 = arith.cmpi sge, %bitcast_convert_type3A, %ge3A : vector<256x1024xi32>
      %convert_element_type3A_58 = arith.extui %ge3A_57 : vector<256x1024xi1> to vector<256x1024xi32>
      %reduce_sum3A_59 = vector.shape_cast %convert_element_type3A_58 : vector<256x1024xi32> to vector<1x256x1024xi32>
      %reduce_sum3A_60 = arith.constant dense<0> : vector<1xi32>
      %reduce_sum3A_61 = vector.multi_reduction <add>, %reduce_sum3A_59, %reduce_sum3A_60 [1, 2] : vector<1x256x1024xi32> to vector<1xi32>
      %reduce_sum3A_62 = vector.shape_cast %reduce_sum3A_61 : vector<1xi32> to vector<1x1x1xi32>
      %reduce_sum3A_63 = vector.extract %reduce_sum3A_62[0, 0, 0] : i32 from vector<1x1x1xi32>
      %swap3A_64 = arith.constant 1 : index
      %swap3A_65 = memref.load %arg8[%swap3A_64] : memref<8xi32, #tpu.memory_space<smem>>
      memref.store %reduce_sum3A_63, %arg8[%swap3A_64] : memref<8xi32, #tpu.memory_space<smem>>
      %ge3A_66 = vector.broadcast %scan3A_47#0 : i32 to vector<256x1024xi32>
      %ge3A_67 = arith.cmpi sge, %bitcast_convert_type3A, %ge3A_66 : vector<256x1024xi32>
      %lt3A = vector.broadcast %scan3A_54#0 : i32 to vector<256x1024xi32>
      %lt3A_68 = arith.cmpi slt, %bitcast_convert_type3A, %lt3A : vector<256x1024xi32>
      %and3A = arith.andi %ge3A_67, %lt3A_68 : vector<256x1024xi1>
      %convert_element_type3A_69 = arith.extui %and3A : vector<256x1024xi1> to vector<256x1024xi32>
      %reduce_sum3A_70 = vector.shape_cast %convert_element_type3A_69 : vector<256x1024xi32> to vector<1x256x1024xi32>
      %reduce_sum3A_71 = arith.constant dense<0> : vector<1xi32>
      %reduce_sum3A_72 = vector.multi_reduction <add>, %reduce_sum3A_70, %reduce_sum3A_71 [1, 2] : vector<1x256x1024xi32> to vector<1xi32>
      %reduce_sum3A_73 = vector.shape_cast %reduce_sum3A_72 : vector<1xi32> to vector<1x1x1xi32>
      %reduce_sum3A_74 = vector.extract %reduce_sum3A_73[0, 0, 0] : i32 from vector<1x1x1xi32>
      %swap3A_75 = arith.constant 2 : index
      %swap3A_76 = memref.load %arg8[%swap3A_75] : memref<8xi32, #tpu.memory_space<smem>>
      memref.store %reduce_sum3A_74, %arg8[%swap3A_75] : memref<8xi32, #tpu.memory_space<smem>>
      %swap3A_77 = arith.constant 3 : index
      %swap3A_78 = memref.load %arg8[%swap3A_77] : memref<8xi32, #tpu.memory_space<smem>>
      memref.store %scan3A_47#0, %arg8[%swap3A_77] : memref<8xi32, #tpu.memory_space<smem>>
      %swap3A_79 = arith.constant 4 : index
      %swap3A_80 = memref.load %arg8[%swap3A_79] : memref<8xi32, #tpu.memory_space<smem>>
      memref.store %scan3A_54#0, %arg8[%swap3A_79] : memref<8xi32, #tpu.memory_space<smem>>
    } else {
    }
    %gt3A_32 = arith.constant 0 : i32
    %gt3A_33 = arith.cmpi sgt, %arg0, %gt3A_32 : i32
    %convert_element_type3A_34 = arith.extui %gt3A_33 : i1 to i32
    %cond3A_35 = arith.constant 0 : i32
    %cond3A_36 = arith.cmpi ne, %convert_element_type3A_34, %cond3A_35 : i32
    scf.if %cond3A_36 {
      %get3A_42 = arith.constant 3 : index
      %get3A_43 = memref.load %arg8[%get3A_42] : memref<8xi32, #tpu.memory_space<smem>>
      %get3A_44 = arith.constant 4 : index
      %get3A_45 = memref.load %arg8[%get3A_44] : memref<8xi32, #tpu.memory_space<smem>>
      %get3A_46 = arith.constant 0 : index
      %get3A_47 = memref.load %arg8[%get3A_46] : memref<8xi32, #tpu.memory_space<smem>>
      %add3A_48 = arith.addi %get3A_47, %reduce_sum3A_28 : i32
      %swap3A_49 = arith.constant 0 : index
      %swap3A_50 = memref.load %arg8[%swap3A_49] : memref<8xi32, #tpu.memory_space<smem>>
      memref.store %add3A_48, %arg8[%swap3A_49] : memref<8xi32, #tpu.memory_space<smem>>
      %get3A_51 = arith.constant 1 : index
      %get3A_52 = memref.load %arg8[%get3A_51] : memref<8xi32, #tpu.memory_space<smem>>
      %ge3A = vector.broadcast %get3A_45 : i32 to vector<256x1024xi32>
      %ge3A_53 = arith.cmpi sge, %bitcast_convert_type3A, %ge3A : vector<256x1024xi32>
      %convert_element_type3A_54 = arith.extui %ge3A_53 : vector<256x1024xi1> to vector<256x1024xi32>
      %reduce_sum3A_55 = vector.shape_cast %convert_element_type3A_54 : vector<256x1024xi32> to vector<1x256x1024xi32>
      %reduce_sum3A_56 = arith.constant dense<0> : vector<1xi32>
      %reduce_sum3A_57 = vector.multi_reduction <add>, %reduce_sum3A_55, %reduce_sum3A_56 [1, 2] : vector<1x256x1024xi32> to vector<1xi32>
      %reduce_sum3A_58 = vector.shape_cast %reduce_sum3A_57 : vector<1xi32> to vector<1x1x1xi32>
      %reduce_sum3A_59 = vector.extract %reduce_sum3A_58[0, 0, 0] : i32 from vector<1x1x1xi32>
      %add3A_60 = arith.addi %get3A_52, %reduce_sum3A_59 : i32
      %swap3A_61 = arith.constant 1 : index
      %swap3A_62 = memref.load %arg8[%swap3A_61] : memref<8xi32, #tpu.memory_space<smem>>
      memref.store %add3A_60, %arg8[%swap3A_61] : memref<8xi32, #tpu.memory_space<smem>>
      %get3A_63 = arith.constant 2 : index
      %get3A_64 = memref.load %arg8[%get3A_63] : memref<8xi32, #tpu.memory_space<smem>>
      %ge3A_65 = vector.broadcast %get3A_43 : i32 to vector<256x1024xi32>
      %ge3A_66 = arith.cmpi sge, %bitcast_convert_type3A, %ge3A_65 : vector<256x1024xi32>
      %lt3A = vector.broadcast %get3A_45 : i32 to vector<256x1024xi32>
      %lt3A_67 = arith.cmpi slt, %bitcast_convert_type3A, %lt3A : vector<256x1024xi32>
      %and3A = arith.andi %ge3A_66, %lt3A_67 : vector<256x1024xi1>
      %convert_element_type3A_68 = arith.extui %and3A : vector<256x1024xi1> to vector<256x1024xi32>
      %reduce_sum3A_69 = vector.shape_cast %convert_element_type3A_68 : vector<256x1024xi32> to vector<1x256x1024xi32>
      %reduce_sum3A_70 = arith.constant dense<0> : vector<1xi32>
      %reduce_sum3A_71 = vector.multi_reduction <add>, %reduce_sum3A_69, %reduce_sum3A_70 [1, 2] : vector<1x256x1024xi32> to vector<1xi32>
      %reduce_sum3A_72 = vector.shape_cast %reduce_sum3A_71 : vector<1xi32> to vector<1x1x1xi32>
      %reduce_sum3A_73 = vector.extract %reduce_sum3A_72[0, 0, 0] : i32 from vector<1x1x1xi32>
      %add3A_74 = arith.addi %get3A_64, %reduce_sum3A_73 : i32
      %swap3A_75 = arith.constant 2 : index
      %swap3A_76 = memref.load %arg8[%swap3A_75] : memref<8xi32, #tpu.memory_space<smem>>
      memref.store %add3A_74, %arg8[%swap3A_75] : memref<8xi32, #tpu.memory_space<smem>>
    } else {
    }
    %eq3A_37 = arith.constant 7 : i32
    %eq3A_38 = arith.cmpi eq, %arg0, %eq3A_37 : i32
    %convert_element_type3A_39 = arith.extui %eq3A_38 : i1 to i32
    %cond3A_40 = arith.constant 0 : i32
    %cond3A_41 = arith.cmpi ne, %convert_element_type3A_39, %cond3A_40 : i32
    scf.if %cond3A_41 {
      %iota3A = tpu.iota {dimensions = array<i32: 1>} : vector<1x128xi32>
      %eq3A_42 = arith.constant 0 : i32
      %eq3A_43 = vector.broadcast %eq3A_42 : i32 to vector<1x128xi32>
      %eq3A_44 = arith.cmpi eq, %iota3A, %eq3A_43 : vector<1x128xi32>
      %get3A_45 = arith.constant 3 : index
      %get3A_46 = memref.load %arg8[%get3A_45] : memref<8xi32, #tpu.memory_space<smem>>
      %eq3A_47 = arith.constant 1 : i32
      %eq3A_48 = vector.broadcast %eq3A_47 : i32 to vector<1x128xi32>
      %eq3A_49 = arith.cmpi eq, %iota3A, %eq3A_48 : vector<1x128xi32>
      %get3A_50 = arith.constant 4 : index
      %get3A_51 = memref.load %arg8[%get3A_50] : memref<8xi32, #tpu.memory_space<smem>>
      %eq3A_52 = arith.constant 2 : i32
      %eq3A_53 = vector.broadcast %eq3A_52 : i32 to vector<1x128xi32>
      %eq3A_54 = arith.cmpi eq, %iota3A, %eq3A_53 : vector<1x128xi32>
      %get3A_55 = arith.constant 0 : index
      %get3A_56 = memref.load %arg8[%get3A_55] : memref<8xi32, #tpu.memory_space<smem>>
      %eq3A_57 = arith.constant 3 : i32
      %eq3A_58 = vector.broadcast %eq3A_57 : i32 to vector<1x128xi32>
      %eq3A_59 = arith.cmpi eq, %iota3A, %eq3A_58 : vector<1x128xi32>
      %get3A_60 = arith.constant 1 : index
      %get3A_61 = memref.load %arg8[%get3A_60] : memref<8xi32, #tpu.memory_space<smem>>
      %eq3A_62 = arith.constant 4 : i32
      %eq3A_63 = vector.broadcast %eq3A_62 : i32 to vector<1x128xi32>
      %eq3A_64 = arith.cmpi eq, %iota3A, %eq3A_63 : vector<1x128xi32>
      %get3A_65 = arith.constant 2 : index
      %get3A_66 = memref.load %arg8[%get3A_65] : memref<8xi32, #tpu.memory_space<smem>>
      %jit3A = arith.constant 0 : i32
      %broadcast_in_dim3A = vector.broadcast %get3A_66 : i32 to vector<1x128xi32>
      %broadcast_in_dim3A_67 = vector.broadcast %jit3A : i32 to vector<1x128xi32>
      %select_n3A = arith.select %eq3A_64, %broadcast_in_dim3A, %broadcast_in_dim3A_67 : vector<1x128xi1>, vector<1x128xi32>
      %broadcast_in_dim3A_68 = vector.broadcast %get3A_61 : i32 to vector<1x128xi32>
      %select_n3A_69 = arith.select %eq3A_59, %broadcast_in_dim3A_68, %select_n3A : vector<1x128xi1>, vector<1x128xi32>
      %broadcast_in_dim3A_70 = vector.broadcast %get3A_56 : i32 to vector<1x128xi32>
      %select_n3A_71 = arith.select %eq3A_54, %broadcast_in_dim3A_70, %select_n3A_69 : vector<1x128xi1>, vector<1x128xi32>
      %broadcast_in_dim3A_72 = vector.broadcast %get3A_51 : i32 to vector<1x128xi32>
      %select_n3A_73 = arith.select %eq3A_49, %broadcast_in_dim3A_72, %select_n3A_71 : vector<1x128xi1>, vector<1x128xi32>
      %broadcast_in_dim3A_74 = vector.broadcast %get3A_46 : i32 to vector<1x128xi32>
      %select_n3A_75 = arith.select %eq3A_44, %broadcast_in_dim3A_74, %select_n3A_73 : vector<1x128xi1>, vector<1x128xi32>
      %swap3A_76 = arith.constant 0 : index
      %swap3A_77 = arith.constant 0 : index
      %swap3A_78 = vector.load %arg7[%swap3A_76, %swap3A_77] : memref<1x128xi32, #tpu.memory_space<vmem>>, vector<1x128xi32>
      tpu.vector_store %arg7[%swap3A_76, %swap3A_77], %select_n3A_75 {strides = array<i32>} : memref<1x128xi32, #tpu.memory_space<vmem>>, vector<1x128xi32>,
    } else {
    }
    return
  }
  func.func @transform_0(%arg0: i32) -> i32 {
    %c0_i32 = arith.constant 0 : i32
    %c0_i32_0 = arith.constant 0 : i32
    return %c0_i32 : i32
  }
  func.func @transform_1(%arg0: i32) -> (i32, i32) {
    %c0_i32 = arith.constant 0 : i32
    %c0_i32_0 = arith.constant 0 : i32
    return %arg0, %c0_i32 : i32, i32
  }
  func.func @transform_2(%arg0: i32) -> (i32, i32) {
    %c0_i32 = arith.constant 0 : i32
    %c0_i32_0 = arith.constant 0 : i32
    %c0_i32_1 = arith.constant 0 : i32
    return %c0_i32, %c0_i32_0 : i32, i32
  }
  func.func @transform_3(%arg0: i32) -> (i32, i32) {
    %c0_i32 = arith.constant 0 : i32
    %c0_i32_0 = arith.constant 0 : i32
    return %arg0, %c0_i32 : i32, i32
  }
  func.func @transform_4(%arg0: i32) -> (i32, i32) {
    %c0_i32 = arith.constant 0 : i32
    %c0_i32_0 = arith.constant 0 : i32
    return %arg0, %c0_i32 : i32, i32
  }
  func.func @transform_5(%arg0: i32) -> (i32, i32) {
    %c0_i32 = arith.constant 0 : i32
    %c0_i32_0 = arith.constant 0 : i32
    return %arg0, %c0_i32 : i32, i32
  }
  func.func @transform_6(%arg0: i32) -> (i32, i32) {
    %c0_i32 = arith.constant 0 : i32
    %c0_i32_0 = arith.constant 0 : i32
    %c0_i32_1 = arith.constant 0 : i32
    return %c0_i32, %c0_i32_0 : i32, i32
  }
}

module attributes {stable_mosaic.version = 14 : i64} {
  func.func @_tc2b_body(%arg0: i32, %arg1: memref<4xf32, #tpu.memory_space<smem>>, %arg2: memref<8xi32, #tpu.memory_space<smem>>, %arg3: memref<256x1024xf32, #tpu.memory_space<vmem>>, %arg4: memref<256x1024xf32, #tpu.memory_space<vmem>>, %arg5: memref<2048x1024xi32, #tpu.memory_space<vmem>>, %arg6: memref<2xi32, #tpu.memory_space<smem>>) attributes {dimension_semantics = [#tpu.dimension_semantics<arbitrary>], iteration_bounds = array<i64: 16>, scalar_prefetch = 0 : i64, scratch_operands = 2 : i64, tpu.core_type = #tpu.core_type<tc>, window_params = [{transform_indices = @transform_0, window_bounds = array<i64: 4>}, {transform_indices = @transform_1, window_bounds = array<i64: 8>}, {transform_indices = @transform_2, window_bounds = array<i64: 256, 1024>}, {transform_indices = @transform_3, window_bounds = array<i64: 256, 1024>}]} {
    %get3A = arith.constant 3 : index
    %get3A_0 = memref.load %arg1[%get3A] : memref<4xf32, #tpu.memory_space<smem>>
    %lt3A = arith.constant 8 : i32
    %lt3A_1 = arith.cmpi slt, %arg0, %lt3A : i32
    %convert_element_type3A = arith.extui %lt3A_1 : i1 to i32
    %cond3A = arith.constant 0 : i32
    %cond3A_2 = arith.cmpi ne, %convert_element_type3A, %cond3A : i32
    scf.if %cond3A_2 {
      %get3A_11 = arith.constant 0 : index
      %get3A_12 = arith.constant 0 : index
      %get3A_13 = vector.load %arg3[%get3A_11, %get3A_12] : memref<256x1024xf32, #tpu.memory_space<vmem>>, vector<256x1024xf32>
      %abs3A = math.absf %get3A_13 : vector<256x1024xf32>
      %bitcast_convert_type3A = tpu.bitcast %abs3A : vector<256x1024xf32> -> vector<256x1024xi32>
      %mul3A = arith.constant 256 : i32
      %mul3A_14 = arith.muli %arg0, %mul3A : i32
      %swap3A = arith.index_cast %mul3A_14 : i32 to index
      %swap3A_15 = arith.constant 0 : index
      %swap3A_16 = vector.load %arg5[%swap3A, %swap3A_15] : memref<2048x1024xi32, #tpu.memory_space<vmem>>, vector<256x1024xi32>
      tpu.vector_store %arg5[%swap3A, %swap3A_15], %bitcast_convert_type3A {strides = array<i32>} : memref<2048x1024xi32, #tpu.memory_space<vmem>>, vector<256x1024xi32>,
    } else {
    }
    %eq3A = arith.constant 8 : i32
    %eq3A_3 = arith.cmpi eq, %arg0, %eq3A : i32
    %convert_element_type3A_4 = arith.extui %eq3A_3 : i1 to i32
    %cond3A_5 = arith.constant 0 : i32
    %cond3A_6 = arith.cmpi ne, %convert_element_type3A_4, %cond3A_5 : i32
    scf.if %cond3A_6 {
      %get3A_11 = arith.constant 0 : index
      %get3A_12 = arith.constant 0 : index
      %get3A_13 = vector.load %arg5[%get3A_11, %get3A_12] : memref<2048x1024xi32, #tpu.memory_space<vmem>>, vector<2048x1024xi32>
      %while3A = arith.constant 0 : i32
      %while3A_14 = arith.constant 2139095040 : i32
      %while3A_15 = arith.constant 2097152 : i32
      %while3A_16:3 = scf.while (%while3A_23 = %while3A, %while3A_24 = %while3A_14, %while3A_25 = %while3A_15) : (i32, i32, i32) -> (i32, i32, i32) {
        %gt3A_26 = arith.constant 209718 : i32
        %gt3A_27 = arith.cmpi sgt, %while3A_25, %gt3A_26 : i32
        %sub3A = arith.subi %while3A_24, %while3A_23 : i32
        %gt3A_28 = arith.constant 1 : i32
        %gt3A_29 = arith.cmpi sgt, %sub3A, %gt3A_28 : i32
        %and3A = arith.andi %gt3A_27, %gt3A_29 : i1
        scf.condition(%and3A) %while3A_23, %while3A_24, %while3A_25 : i32, i32, i32
      } do {
      ^bb0(%while3A_23: i32, %while3A_24: i32, %while3A_25: i32):
        %sub3A = arith.subi %while3A_24, %while3A_23 : i32
        %jit3A = arith.constant 2 : i32
        %div3A = arith.divsi %sub3A, %jit3A : i32
        %sign3A = arith.constant 0 : i32
        %sign3A_26 = arith.cmpi sgt, %sub3A, %sign3A : i32
        %sign3A_27 = arith.extui %sign3A_26 : i1 to i32
        %sign3A_28 = arith.constant 0 : i32
        %sign3A_29 = arith.cmpi slt, %sub3A, %sign3A_28 : i32
        %sign3A_30 = arith.extui %sign3A_29 : i1 to i32
        %sign3A_31 = arith.subi %sign3A_27, %sign3A_30 : i32
        %sign3A_32 = arith.constant 0 : i32
        %sign3A_33 = arith.cmpi sgt, %jit3A, %sign3A_32 : i32
        %sign3A_34 = arith.extui %sign3A_33 : i1 to i32
        %sign3A_35 = arith.constant 0 : i32
        %sign3A_36 = arith.cmpi slt, %jit3A, %sign3A_35 : i32
        %sign3A_37 = arith.extui %sign3A_36 : i1 to i32
        %sign3A_38 = arith.subi %sign3A_34, %sign3A_37 : i32
        %ne3A = arith.cmpi ne, %sign3A_31, %sign3A_38 : i32
        %rem3A = arith.remsi %sub3A, %jit3A : i32
        %ne3A_39 = arith.constant 0 : i32
        %ne3A_40 = arith.cmpi ne, %rem3A, %ne3A_39 : i32
        %and3A = arith.andi %ne3A, %ne3A_40 : i1
        %sub3A_41 = arith.constant 1 : i32
        %sub3A_42 = arith.subi %div3A, %sub3A_41 : i32
        %select_n3A_43 = arith.select %and3A, %sub3A_42, %div3A : i32
        %add3A = arith.addi %while3A_23, %select_n3A_43 : i32
        %ge3A_44 = vector.broadcast %add3A : i32 to vector<2048x1024xi32>
        %ge3A_45 = arith.cmpi sge, %get3A_13, %ge3A_44 : vector<2048x1024xi32>
        %convert_element_type3A_46 = arith.extui %ge3A_45 : vector<2048x1024xi1> to vector<2048x1024xi32>
        %reduce_sum3A = vector.shape_cast %convert_element_type3A_46 : vector<2048x1024xi32> to vector<1x2048x1024xi32>
        %reduce_sum3A_47 = arith.constant dense<0> : vector<1xi32>
        %reduce_sum3A_48 = vector.multi_reduction <add>, %reduce_sum3A, %reduce_sum3A_47 [1, 2] : vector<1x2048x1024xi32> to vector<1xi32>
        %reduce_sum3A_49 = vector.shape_cast %reduce_sum3A_48 : vector<1xi32> to vector<1x1x1xi32>
        %reduce_sum3A_50 = vector.extract %reduce_sum3A_49[0, 0, 0] : i32 from vector<1x1x1xi32>
        %ge3A_51 = arith.constant 209715 : i32
        %ge3A_52 = arith.cmpi sge, %reduce_sum3A_50, %ge3A_51 : i32
        %select_n3A_53 = arith.select %ge3A_52, %add3A, %while3A_23 : i32
        %select_n3A_54 = arith.select %ge3A_52, %while3A_24, %add3A : i32
        %select_n3A_55 = arith.select %ge3A_52, %reduce_sum3A_50, %while3A_25 : i32
        scf.yield %select_n3A_53, %select_n3A_54, %select_n3A_55 : i32, i32, i32
      }
      %get3A_17 = arith.constant 1 : index
      %get3A_18 = memref.load %arg2[%get3A_17] : memref<8xi32, #tpu.memory_space<smem>>
      %gt3A = arith.constant 0 : i32
      %gt3A_19 = arith.cmpi sgt, %get3A_18, %gt3A : i32
      %get3A_20 = arith.constant 0 : index
      %get3A_21 = memref.load %arg2[%get3A_20] : memref<8xi32, #tpu.memory_space<smem>>
      %select_n3A = arith.select %gt3A_19, %while3A_16#0, %get3A_21 : i32
      %swap3A = arith.constant 0 : index
      %swap3A_22 = memref.load %arg6[%swap3A] : memref<2xi32, #tpu.memory_space<smem>>
      memref.store %select_n3A, %arg6[%swap3A] : memref<2xi32, #tpu.memory_space<smem>>
    } else {
    }
    %ge3A = arith.constant 8 : i32
    %ge3A_7 = arith.cmpi sge, %arg0, %ge3A : i32
    %convert_element_type3A_8 = arith.extui %ge3A_7 : i1 to i32
    %cond3A_9 = arith.constant 0 : i32
    %cond3A_10 = arith.cmpi ne, %convert_element_type3A_8, %cond3A_9 : i32
    scf.if %cond3A_10 {
      %get3A_11 = arith.constant 0 : index
      %get3A_12 = memref.load %arg6[%get3A_11] : memref<2xi32, #tpu.memory_space<smem>>
      %get3A_13 = arith.constant 0 : index
      %get3A_14 = arith.constant 0 : index
      %get3A_15 = vector.load %arg3[%get3A_13, %get3A_14] : memref<256x1024xf32, #tpu.memory_space<vmem>>, vector<256x1024xf32>
      %abs3A = math.absf %get3A_15 : vector<256x1024xf32>
      %bitcast_convert_type3A = tpu.bitcast %abs3A : vector<256x1024xf32> -> vector<256x1024xi32>
      %ge3A_16 = vector.broadcast %get3A_12 : i32 to vector<256x1024xi32>
      %ge3A_17 = arith.cmpi sge, %bitcast_convert_type3A, %ge3A_16 : vector<256x1024xi32>
      %neg3A = arith.constant 0.000000e+00 : f32
      %neg3A_18 = arith.subf %neg3A, %get3A_0 : f32
      %max3A = vector.broadcast %neg3A_18 : f32 to vector<256x1024xf32>
      %max3A_19 = arith.maximumf %max3A, %get3A_15 : vector<256x1024xf32>
      %min3A = vector.broadcast %get3A_0 : f32 to vector<256x1024xf32>
      %min3A_20 = arith.minimumf %min3A, %max3A_19 : vector<256x1024xf32>
      %broadcast_in_dim3A = arith.constant 0.000000e+00 : f32
      %broadcast_in_dim3A_21 = vector.broadcast %broadcast_in_dim3A : f32 to vector<256x1024xf32>
      %select_n3A = arith.select %ge3A_17, %min3A_20, %broadcast_in_dim3A_21 : vector<256x1024xi1>, vector<256x1024xf32>
      %swap3A = arith.constant 0 : index
      %swap3A_22 = arith.constant 0 : index
      %swap3A_23 = vector.load %arg4[%swap3A, %swap3A_22] : memref<256x1024xf32, #tpu.memory_space<vmem>>, vector<256x1024xf32>
      tpu.vector_store %arg4[%swap3A, %swap3A_22], %select_n3A {strides = array<i32>} : memref<256x1024xf32, #tpu.memory_space<vmem>>, vector<256x1024xf32>,
    } else {
    }
    return
  }
  func.func @transform_0(%arg0: i32) -> i32 {
    %c0_i32 = arith.constant 0 : i32
    %c0_i32_0 = arith.constant 0 : i32
    return %c0_i32 : i32
  }
  func.func @transform_1(%arg0: i32) -> i32 {
    %c0_i32 = arith.constant 0 : i32
    %c0_i32_0 = arith.constant 0 : i32
    return %c0_i32 : i32
  }
  func.func @transform_2(%arg0: i32) -> (i32, i32) {
    %lt3A = arith.constant 8 : i32
    %lt3A_0 = arith.cmpi slt, %arg0, %lt3A : i32
    %sub3A = arith.constant 8 : i32
    %sub3A_1 = arith.subi %arg0, %sub3A : i32
    %select_n3A = arith.select %lt3A_0, %arg0, %sub3A_1 : i32
    %c0_i32 = arith.constant 0 : i32
    %c0_i32_2 = arith.constant 0 : i32
    return %select_n3A, %c0_i32 : i32, i32
  }
  func.func @transform_3(%arg0: i32) -> (i32, i32) {
    %sub3A = arith.constant 8 : i32
    %sub3A_0 = arith.subi %arg0, %sub3A : i32
    %max3A = arith.constant 0 : i32
    %max3A_1 = arith.maxsi %sub3A_0, %max3A : i32
    %c0_i32 = arith.constant 0 : i32
    %c0_i32_2 = arith.constant 0 : i32
    return %max3A_1, %c0_i32 : i32, i32
  }
}

module attributes {stable_mosaic.version = 14 : i64} {
  func.func @_tc2a_body(%arg0: i32, %arg1: memref<4xf32, #tpu.memory_space<smem>>, %arg2: memref<8xi32, #tpu.memory_space<smem>>, %arg3: memref<32x4096xi32, #tpu.memory_space<vmem>>, %arg4: memref<32x16xi32, #tpu.memory_space<vmem>>, %arg5: memref<256x1024xf32, #tpu.memory_space<vmem>>, %arg6: memref<256x1024xf32, #tpu.memory_space<vmem>>, %arg7: memref<2xi32, #tpu.memory_space<smem>>) attributes {dimension_semantics = [#tpu.dimension_semantics<arbitrary>], iteration_bounds = array<i64: 8>, scalar_prefetch = 0 : i64, scratch_operands = 1 : i64, tpu.core_type = #tpu.core_type<tc>, window_params = [{transform_indices = @transform_0, window_bounds = array<i64: 4>}, {transform_indices = @transform_1, window_bounds = array<i64: 8>}, {pipeline_mode = #tpu.pipeline_mode<synchronous>, transform_indices = @transform_2, window_bounds = array<i64: 32, 4096>}, {pipeline_mode = #tpu.pipeline_mode<synchronous>, transform_indices = @transform_3, window_bounds = array<i64: 32, 16>}, {transform_indices = @transform_4, window_bounds = array<i64: 256, 1024>}, {transform_indices = @transform_5, window_bounds = array<i64: 256, 1024>}]} {
    %get3A = arith.constant 3 : index
    %get3A_0 = memref.load %arg1[%get3A] : memref<4xf32, #tpu.memory_space<smem>>
    %eq3A = arith.constant 0 : i32
    %eq3A_1 = arith.cmpi eq, %arg0, %eq3A : i32
    %convert_element_type3A = arith.extui %eq3A_1 : i1 to i32
    %cond3A = arith.constant 0 : i32
    %cond3A_2 = arith.cmpi ne, %convert_element_type3A, %cond3A : i32
    scf.if %cond3A_2 {
      %get3A_15 = arith.constant 0 : index
      %get3A_16 = memref.load %arg2[%get3A_15] : memref<8xi32, #tpu.memory_space<smem>>
      %get3A_17 = arith.constant 1 : index
      %get3A_18 = memref.load %arg2[%get3A_17] : memref<8xi32, #tpu.memory_space<smem>>
      %get3A_19 = arith.constant 2 : index
      %get3A_20 = memref.load %arg2[%get3A_19] : memref<8xi32, #tpu.memory_space<smem>>
      %get3A_21 = arith.constant 3 : index
      %get3A_22 = memref.load %arg2[%get3A_21] : memref<8xi32, #tpu.memory_space<smem>>
      %get3A_23 = arith.constant 4 : index
      %get3A_24 = memref.load %arg2[%get3A_23] : memref<8xi32, #tpu.memory_space<smem>>
      %get3A_25 = arith.constant 5 : index
      %get3A_26 = memref.load %arg2[%get3A_25] : memref<8xi32, #tpu.memory_space<smem>>
      %get3A_27 = arith.constant 0 : index
      %get3A_28 = arith.constant 0 : index
      %get3A_29 = vector.load %arg3[%get3A_27, %get3A_28] : memref<32x4096xi32, #tpu.memory_space<vmem>>, vector<32x4096xi32>
      %iota3A = tpu.iota {dimensions = array<i32: 1>} : vector<32x4096xi32>
      %broadcast_in_dim3A_30 = arith.constant false
      %broadcast_in_dim3A_31 = vector.broadcast %broadcast_in_dim3A_30 : i1 to vector<32x4096xi1>
      %get3A_32 = arith.constant 0 : index
      %get3A_33 = arith.constant 0 : index
      %get3A_34 = vector.load %arg4[%get3A_32, %get3A_33] : memref<32x16xi32, #tpu.memory_space<vmem>>, vector<32x1xi32>
      %ge3A_35 = arith.constant 0 : i32
      %ge3A_36 = vector.broadcast %ge3A_35 : i32 to vector<32x4096xi32>
      %ge3A_37 = arith.cmpi sge, %iota3A, %ge3A_36 : vector<32x4096xi32>
      %sub3A = arith.constant 0 : i32
      %sub3A_38 = vector.broadcast %sub3A : i32 to vector<32x4096xi32>
      %sub3A_39 = arith.subi %iota3A, %sub3A_38 : vector<32x4096xi32>
      %lt3A = vector.broadcast %get3A_34 : vector<32x1xi32> to vector<32x4096xi32>
      %lt3A_40 = arith.cmpi slt, %sub3A_39, %lt3A : vector<32x4096xi32>
      %and3A = arith.andi %ge3A_37, %lt3A_40 : vector<32x4096xi1>
      %or3A = arith.ori %broadcast_in_dim3A_31, %and3A : vector<32x4096xi1>
      %get3A_41 = arith.constant 0 : index
      %get3A_42 = arith.constant 1 : index
      %get3A_43 = vector.load %arg4[%get3A_41, %get3A_42] : memref<32x16xi32, #tpu.memory_space<vmem>>, vector<32x1xi32>
      %ge3A_44 = arith.constant 1024 : i32
      %ge3A_45 = vector.broadcast %ge3A_44 : i32 to vector<32x4096xi32>
      %ge3A_46 = arith.cmpi sge, %iota3A, %ge3A_45 : vector<32x4096xi32>
      %sub3A_47 = arith.constant 1024 : i32
      %sub3A_48 = vector.broadcast %sub3A_47 : i32 to vector<32x4096xi32>
      %sub3A_49 = arith.subi %iota3A, %sub3A_48 : vector<32x4096xi32>
      %lt3A_50 = vector.broadcast %get3A_43 : vector<32x1xi32> to vector<32x4096xi32>
      %lt3A_51 = arith.cmpi slt, %sub3A_49, %lt3A_50 : vector<32x4096xi32>
      %and3A_52 = arith.andi %ge3A_46, %lt3A_51 : vector<32x4096xi1>
      %or3A_53 = arith.ori %or3A, %and3A_52 : vector<32x4096xi1>
      %get3A_54 = arith.constant 0 : index
      %get3A_55 = arith.constant 2 : index
      %get3A_56 = vector.load %arg4[%get3A_54, %get3A_55] : memref<32x16xi32, #tpu.memory_space<vmem>>, vector<32x1xi32>
      %ge3A_57 = arith.constant 2048 : i32
      %ge3A_58 = vector.broadcast %ge3A_57 : i32 to vector<32x4096xi32>
      %ge3A_59 = arith.cmpi sge, %iota3A, %ge3A_58 : vector<32x4096xi32>
      %sub3A_60 = arith.constant 2048 : i32
      %sub3A_61 = vector.broadcast %sub3A_60 : i32 to vector<32x4096xi32>
      %sub3A_62 = arith.subi %iota3A, %sub3A_61 : vector<32x4096xi32>
      %lt3A_63 = vector.broadcast %get3A_56 : vector<32x1xi32> to vector<32x4096xi32>
      %lt3A_64 = arith.cmpi slt, %sub3A_62, %lt3A_63 : vector<32x4096xi32>
      %and3A_65 = arith.andi %ge3A_59, %lt3A_64 : vector<32x4096xi1>
      %or3A_66 = arith.ori %or3A_53, %and3A_65 : vector<32x4096xi1>
      %get3A_67 = arith.constant 0 : index
      %get3A_68 = arith.constant 3 : index
      %get3A_69 = vector.load %arg4[%get3A_67, %get3A_68] : memref<32x16xi32, #tpu.memory_space<vmem>>, vector<32x1xi32>
      %ge3A_70 = arith.constant 3072 : i32
      %ge3A_71 = vector.broadcast %ge3A_70 : i32 to vector<32x4096xi32>
      %ge3A_72 = arith.cmpi sge, %iota3A, %ge3A_71 : vector<32x4096xi32>
      %sub3A_73 = arith.constant 3072 : i32
      %sub3A_74 = vector.broadcast %sub3A_73 : i32 to vector<32x4096xi32>
      %sub3A_75 = arith.subi %iota3A, %sub3A_74 : vector<32x4096xi32>
      %lt3A_76 = vector.broadcast %get3A_69 : vector<32x1xi32> to vector<32x4096xi32>
      %lt3A_77 = arith.cmpi slt, %sub3A_75, %lt3A_76 : vector<32x4096xi32>
      %and3A_78 = arith.andi %ge3A_72, %lt3A_77 : vector<32x4096xi1>
      %or3A_79 = arith.ori %or3A_66, %and3A_78 : vector<32x4096xi1>
      %add3A = arith.addi %get3A_20, %get3A_26 : i32
      %while3A:3 = scf.while (%while3A_84 = %get3A_22, %while3A_85 = %get3A_24, %while3A_86 = %add3A) : (i32, i32, i32) -> (i32, i32, i32) {
        %gt3A_87 = arith.constant 209718 : i32
        %gt3A_88 = arith.cmpi sgt, %while3A_86, %gt3A_87 : i32
        %sub3A_89 = arith.subi %while3A_85, %while3A_84 : i32
        %gt3A_90 = arith.constant 1 : i32
        %gt3A_91 = arith.cmpi sgt, %sub3A_89, %gt3A_90 : i32
        %and3A_92 = arith.andi %gt3A_88, %gt3A_91 : i1
        scf.condition(%and3A_92) %while3A_84, %while3A_85, %while3A_86 : i32, i32, i32
      } do {
      ^bb0(%while3A_84: i32, %while3A_85: i32, %while3A_86: i32):
        %sub3A_87 = arith.subi %while3A_85, %while3A_84 : i32
        %jit3A = arith.constant 2 : i32
        %div3A = arith.divsi %sub3A_87, %jit3A : i32
        %sign3A = arith.constant 0 : i32
        %sign3A_88 = arith.cmpi sgt, %sub3A_87, %sign3A : i32
        %sign3A_89 = arith.extui %sign3A_88 : i1 to i32
        %sign3A_90 = arith.constant 0 : i32
        %sign3A_91 = arith.cmpi slt, %sub3A_87, %sign3A_90 : i32
        %sign3A_92 = arith.extui %sign3A_91 : i1 to i32
        %sign3A_93 = arith.subi %sign3A_89, %sign3A_92 : i32
        %sign3A_94 = arith.constant 0 : i32
        %sign3A_95 = arith.cmpi sgt, %jit3A, %sign3A_94 : i32
        %sign3A_96 = arith.extui %sign3A_95 : i1 to i32
        %sign3A_97 = arith.constant 0 : i32
        %sign3A_98 = arith.cmpi slt, %jit3A, %sign3A_97 : i32
        %sign3A_99 = arith.extui %sign3A_98 : i1 to i32
        %sign3A_100 = arith.subi %sign3A_96, %sign3A_99 : i32
        %ne3A = arith.cmpi ne, %sign3A_93, %sign3A_100 : i32
        %rem3A = arith.remsi %sub3A_87, %jit3A : i32
        %ne3A_101 = arith.constant 0 : i32
        %ne3A_102 = arith.cmpi ne, %rem3A, %ne3A_101 : i32
        %and3A_103 = arith.andi %ne3A, %ne3A_102 : i1
        %sub3A_104 = arith.constant 1 : i32
        %sub3A_105 = arith.subi %div3A, %sub3A_104 : i32
        %select_n3A_106 = arith.select %and3A_103, %sub3A_105, %div3A : i32
        %add3A_107 = arith.addi %while3A_84, %select_n3A_106 : i32
        %ge3A_108 = vector.broadcast %add3A_107 : i32 to vector<32x4096xi32>
        %ge3A_109 = arith.cmpi sge, %get3A_29, %ge3A_108 : vector<32x4096xi32>
        %and3A_110 = arith.andi %or3A_79, %ge3A_109 : vector<32x4096xi1>
        %convert_element_type3A_111 = arith.extui %and3A_110 : vector<32x4096xi1> to vector<32x4096xi32>
        %reduce_sum3A = vector.shape_cast %convert_element_type3A_111 : vector<32x4096xi32> to vector<1x32x4096xi32>
        %reduce_sum3A_112 = arith.constant dense<0> : vector<1xi32>
        %reduce_sum3A_113 = vector.multi_reduction <add>, %reduce_sum3A, %reduce_sum3A_112 [1, 2] : vector<1x32x4096xi32> to vector<1xi32>
        %reduce_sum3A_114 = vector.shape_cast %reduce_sum3A_113 : vector<1xi32> to vector<1x1x1xi32>
        %reduce_sum3A_115 = vector.extract %reduce_sum3A_114[0, 0, 0] : i32 from vector<1x1x1xi32>
        %add3A_116 = arith.addi %get3A_20, %reduce_sum3A_115 : i32
        %ge3A_117 = arith.constant 209715 : i32
        %ge3A_118 = arith.cmpi sge, %add3A_116, %ge3A_117 : i32
        %select_n3A_119 = arith.select %ge3A_118, %add3A_107, %while3A_84 : i32
        %select_n3A_120 = arith.select %ge3A_118, %while3A_85, %add3A_107 : i32
        %select_n3A_121 = arith.select %ge3A_118, %add3A_116, %while3A_86 : i32
        scf.yield %select_n3A_119, %select_n3A_120, %select_n3A_121 : i32, i32, i32
      }
      %gt3A = arith.constant 0 : i32
      %gt3A_80 = arith.cmpi sgt, %get3A_18, %gt3A : i32
      %select_n3A_81 = arith.select %gt3A_80, %while3A#0, %get3A_16 : i32
      %swap3A_82 = arith.constant 0 : index
      %swap3A_83 = memref.load %arg7[%swap3A_82] : memref<2xi32, #tpu.memory_space<smem>>
      memref.store %select_n3A_81, %arg7[%swap3A_82] : memref<2xi32, #tpu.memory_space<smem>>
    } else {
    }
    %get3A_3 = arith.constant 0 : index
    %get3A_4 = memref.load %arg7[%get3A_3] : memref<2xi32, #tpu.memory_space<smem>>
    %get3A_5 = arith.constant 0 : index
    %get3A_6 = arith.constant 0 : index
    %get3A_7 = vector.load %arg5[%get3A_5, %get3A_6] : memref<256x1024xf32, #tpu.memory_space<vmem>>, vector<256x1024xf32>
    %abs3A = math.absf %get3A_7 : vector<256x1024xf32>
    %bitcast_convert_type3A = tpu.bitcast %abs3A : vector<256x1024xf32> -> vector<256x1024xi32>
    %ge3A = vector.broadcast %get3A_4 : i32 to vector<256x1024xi32>
    %ge3A_8 = arith.cmpi sge, %bitcast_convert_type3A, %ge3A : vector<256x1024xi32>
    %neg3A = arith.constant 0.000000e+00 : f32
    %neg3A_9 = arith.subf %neg3A, %get3A_0 : f32
    %max3A = vector.broadcast %neg3A_9 : f32 to vector<256x1024xf32>
    %max3A_10 = arith.maximumf %max3A, %get3A_7 : vector<256x1024xf32>
    %min3A = vector.broadcast %get3A_0 : f32 to vector<256x1024xf32>
    %min3A_11 = arith.minimumf %min3A, %max3A_10 : vector<256x1024xf32>
    %broadcast_in_dim3A = arith.constant 0.000000e+00 : f32
    %broadcast_in_dim3A_12 = vector.broadcast %broadcast_in_dim3A : f32 to vector<256x1024xf32>
    %select_n3A = arith.select %ge3A_8, %min3A_11, %broadcast_in_dim3A_12 : vector<256x1024xi1>, vector<256x1024xf32>
    %swap3A = arith.constant 0 : index
    %swap3A_13 = arith.constant 0 : index
    %swap3A_14 = vector.load %arg6[%swap3A, %swap3A_13] : memref<256x1024xf32, #tpu.memory_space<vmem>>, vector<256x1024xf32>
    tpu.vector_store %arg6[%swap3A, %swap3A_13], %select_n3A {strides = array<i32>} : memref<256x1024xf32, #tpu.memory_space<vmem>>, vector<256x1024xf32>,
    return
  }
  func.func @transform_0(%arg0: i32) -> i32 {
    %c0_i32 = arith.constant 0 : i32
    %c0_i32_0 = arith.constant 0 : i32
    return %c0_i32 : i32
  }
  func.func @transform_1(%arg0: i32) -> i32 {
    %c0_i32 = arith.constant 0 : i32
    %c0_i32_0 = arith.constant 0 : i32
    return %c0_i32 : i32
  }
  func.func @transform_2(%arg0: i32) -> (i32, i32) {
    %c0_i32 = arith.constant 0 : i32
    %c0_i32_0 = arith.constant 0 : i32
    %c0_i32_1 = arith.constant 0 : i32
    return %c0_i32, %c0_i32_0 : i32, i32
  }
  func.func @transform_3(%arg0: i32) -> (i32, i32) {
    %c0_i32 = arith.constant 0 : i32
    %c0_i32_0 = arith.constant 0 : i32
    %c0_i32_1 = arith.constant 0 : i32
    return %c0_i32, %c0_i32_0 : i32, i32
  }
  func.func @transform_4(%arg0: i32) -> (i32, i32) {
    %c0_i32 = arith.constant 0 : i32
    %c0_i32_0 = arith.constant 0 : i32
    return %arg0, %c0_i32 : i32, i32
  }
  func.func @transform_5(%arg0: i32) -> (i32, i32) {
    %c0_i32 = arith.constant 0 : i32
    %c0_i32_0 = arith.constant 0 : i32
    return %arg0, %c0_i32 : i32, i32
  }
}

</mosaic_0001>

<sc_bundles>
// kernel: kernel.4.cloned.1.call-start
scs
__scs_entry_jumppad:
0x0: {  	(pc) =	sbr.rel $0x88, $3  }
0x1: {  	(tag) =	ssettag $0x0;
	lr =	simm.s32 $0x1  }
0x2: {  	[smem:$0x3F99] =	sst lr;
	_ =	strace $0xD0000000  }
0x3: {  	_ = 	snop  }
0x4: {  	_ = 	snop  }
0x5: {  	_ = 	snop  }
0x6: {  	_ = 	snop  }
0x7: {  	_ = 	snop  }
__scs_overlays_trampoline_lowered:
0x8: {  	[smem:$0x3FA8] =	sst s0  }
0x9: {  	[smem:$0x3FA9] =	sst s1  }
0xa: {  	[smem:$0x3FAA] =	sst s2  }
0xb: {  	[smem:$0x3FAB] =	sst s3  }
0xc: {  	[smem:$0x3FAC] =	sst s4  }
0xd: {  	[smem:$0x3FAD] =	sst s5  }
0xe: {  	[smem:$0x3FAE] =	sst s6  }
0xf: {  	[smem:$0x3FAF] =	sst s7  }
0x10: {  	[smem:$0x3FB0] =	sst s8  }
0x11: {  	[smem:$0x3FB1] =	sst s9;
	s0 =	simm.s32 @!p0 $0x0  }
0x12: {  	s1 =	sld [smem:$0x3F97];
	s0 =	simm.s32 @p0 $0x1  }
0x13: {  	[smem:$0x3FB2] =	sst s0;
	s0 =	simm.s32 @!p1 $0x0  }
0x14: {  	s2 =	sld [smem:$0x3F96];
	s0 =	simm.s32 @p1 $0x1  }
0x15: {  	[smem:$0x3FB3] =	sst s0;
	s0 =	simm.s32 @!p2 $0x0  }
0x16: {  	s3 =	sld [smem:$0x3FDB];
	s0 =	simm.s32 @p2 $0x1  }
0x17: {  	s4 =	simm.s32 $0x1BF5;
	[smem:$0x3FB5] =	sst s0  }
0x18: {  	s0 =	sld [smem:$0x3F98];
	_ =	swait.ge [sflag:s4], $0x0  }
0x19: {  	s7 =	sld [smem:$0x3F99]  }
0x1a: {  	s8 =	sadd.s32 $0xFFFFE003, lr  }
0x1b: {  	s9 =	sadd.s32 $0xFFFFFEF7, lr;
	s5 =	simm.s32 $0xFFFFFFFF;
	p2 =	slt.u32 s8, $0xFFFFF086  }
0x1c: {  	p1 =	slt.u32 s9, $0xF7A;
	s5 =	simm.s32 @!p2 $0x0  }
0x1d: {  	s5 =	simm.s32 @p1 $0x1;
	p0 =	seq.s32 s7, s2  }
0x1e: {  	s7 =	smul.u32 @!p0 $0xF7A, s2;
	p2 =	seq.s32 @!p0 s5, $0x0  }
0x1f: {  	s9 =	smul.u32 $0xF7A, s1;
	s8 =	simm.s32 @!p0 $0x1BF5;
	p2 =	por !p2, p0  }
0x20: {  	[sflag:s8] =	ssyncset.s32 @!p0 $0xFFFFF086;
	s6 =	sadd.s32 @!p0 s3, s7;
	s7 =	simm.s32 @!p0 $0x108  }
0x21: {  	s3 =	sadd.s32 s3, s9;
	s6 =	sadd.s32 @!p0 $0x88, s6;
	s7 =	simm.s32 @p2 $0x1082  }
0x22: {  	[simem:s7], [sflag:s8] =	dma.local @!p0 [hbm:s6], $0xF7A  }
0x23: {  	s9 =	sor.u32 $0xD0000000, s2;
	s6 =	simm.s32 $0x108;
	_ =	swait.ge @!p0 [sflag:s8], $0x0  }
0x24: {  	s3 =	sadd.s32 $0x88, s3;
	s6 =	simm.s32 @!p1 $0x1082;
	[sflag:s4] =	ssyncset.s32 $0xFFFFF086  }
0x25: {  	[simem:s6], [sflag:s4] =	dma.local [hbm:s3], $0xF7A  }
0x26: {  	[smem:$0x3F99] =	sst s1;
	(tag) =	ssettag s2;
	_ =	strace s9  }
0x27: {  	s1 =	sld [smem:$0x3FA9]  }
0x28: {  	s2 =	sld [smem:$0x3FAA]  }
0x29: {  	s4 =	sld [smem:$0x3FAC]  }
0x2a: {  	p0 =	seq.s32 s5, $0x0;
	s5 =	sld [smem:$0x3FAD]  }
0x2b: {  	s6 =	sld [smem:$0x3FAE]  }
0x2c: {  	s7 =	sld [smem:$0x3FAF]  }
0x2d: {  	s3 =	simm.s32 $0x108;
	s8 =	sld [smem:$0x3FB0]  }
0x2e: {  	s3 =	simm.s32 @!p0 $0x1082;
	s9 =	sld [smem:$0x3FB1]  }
0x2f: {  	lr =	sadd.s32 s0, s3;
	s0 =	sld [smem:$0x3FA8]  }
0x30: {  	s3 =	sld [smem:$0x3FAB]  }
0x31: {  	[smem:$0x3FB4] =	sst s10  }
0x32: {  	s10 =	sld [smem:$0x3FB2];
	_ =	sdelay $0x3  }
0x33: {  	p0 =	seq.s32 s10, $0x1;
	s10 =	sld [smem:$0x3FB4];
	_ =	sdelay $0x3  }
0x34: {  	[smem:$0x3FB4] =	sst s10  }
0x35: {  	s10 =	sld [smem:$0x3FB3];
	_ =	sdelay $0x3  }
0x36: {  	p1 =	seq.s32 s10, $0x1;
	s10 =	sld [smem:$0x3FB4];
	_ =	sdelay $0x3  }
0x37: {  	[smem:$0x3FB4] =	sst s10  }
0x38: {  	s10 =	sld [smem:$0x3FB5]  }
0x39: {  	_ = 	snop;
	(pc) =	sbr.ind lr, $3  }
0x3a: {  	_ = 	snop  }
0x3b: {  	_ = 	snop  }
0x3c: {  	p2 =	seq.s32 s10, $0x1;
	s10 =	sld [smem:$0x3FB4]  }
0x3d: {  	_ =	shalt  }
0x3e: {  	_ =	shalt  }
0x3f: {  	_ =	shalt  }
0x40: {  	_ =	shalt  }
0x41: {  	_ =	shalt  }
0x42: {  	_ =	shalt  }
0x43: {  	_ =	shalt  }
0x44: {  	_ =	shalt  }
0x45: {  	_ =	shalt  }
0x46: {  	_ =	shalt  }
0x47: {  	_ =	shalt  }
0x48: {  	_ =	shalt  }
0x49: {  	_ =	shalt  }
0x4a: {  	_ =	shalt  }
0x4b: {  	_ =	shalt  }
0x4c: {  	_ =	shalt  }
0x4d: {  	_ =	shalt  }
0x4e: {  	_ =	shalt  }
0x4f: {  	_ =	shalt  }
0x50: {  	_ =	shalt  }
0x51: {  	_ =	shalt  }
0x52: {  	_ =	shalt  }
0x53: {  	_ =	shalt  }
0x54: {  	_ =	shalt  }
0x55: {  	_ =	shalt  }
0x56: {  	_ =	shalt  }
0x57: {  	_ =	shalt  }
0x58: {  	_ =	shalt  }
0x59: {  	_ =	shalt  }
0x5a: {  	_ =	shalt  }
0x5b: {  	_ =	shalt  }
0x5c: {  	_ =	shalt  }
0x5d: {  	_ =	shalt  }
0x5e: {  	_ =	shalt  }
0x5f: {  	_ =	shalt  }
0x60: {  	_ =	shalt  }
0x61: {  	_ =	shalt  }
0x62: {  	_ =	shalt  }
0x63: {  	_ =	shalt  }
0x64: {  	_ =	shalt  }
0x65: {  	_ =	shalt  }
0x66: {  	_ =	shalt  }
0x67: {  	_ =	shalt  }
0x68: {  	_ =	shalt  }
0x69: {  	_ =	shalt  }
0x6a: {  	_ =	shalt  }
0x6b: {  	_ =	shalt  }
0x6c: {  	_ =	shalt  }
0x6d: {  	_ =	shalt  }
0x6e: {  	_ =	shalt  }
0x6f: {  	_ =	shalt  }
0x70: {  	_ =	shalt  }
0x71: {  	_ =	shalt  }
0x72: {  	_ =	shalt  }
0x73: {  	_ =	shalt  }
0x74: {  	_ =	shalt  }
0x75: {  	_ =	shalt  }
0x76: {  	_ =	shalt  }
0x77: {  	_ =	shalt  }
0x78: {  	_ =	shalt  }
0x79: {  	_ =	shalt  }
0x7a: {  	_ =	shalt  }
0x7b: {  	_ =	shalt  }
0x7c: {  	_ =	shalt  }
0x7d: {  	_ =	shalt  }
0x7e: {  	_ =	shalt  }
0x7f: {  	_ =	shalt  }
0x80: {  	_ =	shalt  }
0x81: {  	_ =	shalt  }
0x82: {  	_ =	shalt  }
0x83: {  	_ =	shalt  }
0x84: {  	_ =	shalt  }
0x85: {  	_ =	shalt  }
0x86: {  	_ =	shalt  }
0x87: {  	_ =	shalt  }
.Lfunc_end0:
.L_simem_size_0:
called_computation_lowered:
.L_overlay_start_0:
0x88: {  	s2 =	sld [smem:$0x3FD9]  }
0x89: {  	s3 =	sld [smem:$0x3FFE];
	_ =	sdelay $0x1  }
0x8a: {  	s1 =	srdreg.scid  }
0x8b: {  	s0 =	sand.u32 $0x1, s1  }
0x8c: {  	s14 =	sshll.u32 s0, $0xA;
	s2 =	sadd.s32 s3, s2  }
0x8d: {  	s2 =	sadd.s32 s2, s14  }
0x8e: {  	[smem:$0x3FC0] =	sst s2  }
0x8f: {  	_ = 	snop  }
0x90: {  	s2 =	sld [smem:$0x3FD0];
	_ =	sdelay $0x2  }
0x91: {  	s15 =	simm.s32 $0xA;
	s4 =	simm.s32 $0x10  }
0x92: {  	[smem:s4], [sflag:s15] =	dma.local [hbm:s2], $0x1  }
0x93: {  	_ =	swait.eq [sflag:s15], $0x1  }
0x94: {  	[sflag:s15] =	ssyncset.done $0x0  }
0x95: {  	[sflag:s15] =	ssyncadd.s32 $0xFFFFFFFF  }
0x96: {  	s16 =	sld [smem:$0x10];
	(tm) =	ssettm $0x1  }
0x97: {  	s17 =	sld [smem:$0x3FFB];
	_ =	sdelay $0x3  }
0x98: {  	_ =	strace s17  }
0x99: {  	s3 =	sld [smem:$0x3FFC];
	_ =	sdelay $0x3  }
0x9a: {  	_ =	strace s3  }
0x9b: {  	s3 =	sld [smem:$0x3FFD];
	_ =	sdelay $0x3  }
0x9c: {  	_ =	strace s3  }
0x9d: {  	_ =	strace $0x8FFFFFFF  }
0x9e: {  	s18 =	sld [smem:$0x3FDB];
	_ =	sdelay $0x1  }
0x9f: {  	s19 =	simm.s32 $_scs_section_size  }
0xa0: {  	s5 =	simm.s32 $_size__tile_overlayer_lowered;
	s6 =	simm.s32 $_tile_overlayer_lowered  }
0xa1: {  	s22 =	simm.s32 $0x1BFF;
	s21 =	sshll.u32 s6, $0x1;
	s3 =	sadd.s32 s19, s18  }
0xa2: {  	s7 =	simm.s32 $0x0;
	s20 =	sshll.u32 s5, $0x1;
	s5 =	sadd.s32 s21, s3  }
0xa3: {  	[timem:s7], [sflag:s22] =	dma.local [hbm:s5], s20  }
0xa4: {  	_ =	swait.ge [sflag:s22], s20  }
0xa5: {  	s4 =	ssub.s32 $0x0, s20;
	[sflag:s22] =	ssyncset.done $0x0  }
0xa6: {  	[sflag:s22] =	ssyncadd.s32 s4;
	_ =	sdelay $0x1  }
0xa7: {  	s23 =	simm.s32 $0x1B8B  }
0xa8: {  	_ =	swait.ge [sflag:s23], $0x1  }
0xa9: {  	[sflag:s23] =	ssyncset.done $0x0  }
0xaa: {  	s25 =	simm.s32 $0x1B8E;
	s24 =	sld [smem:$0x3FFE];
	[sflag:s23] =	ssyncadd.s32 $0xFFFFFFFF  }
0xab: {  	s26 =	simm.s32 $execute0_lowered;
	[smem:$0x3FD2] =	sst s25  }
0xac: {  	s5 =	sshll.u32 s26, $0x1;
	_ =	strace $0x80000046;
	[dreg:$0x1] =	wrdreg $0xFFFFFFFF  }
0xad: {  	s28 =	simm.s32 $_size_execute0_lowered;
	s3 =	sadd.s32 s3, s5;
	[dreg:$0x0] =	wrdreg $0x0  }
0xae: {  	s5 =	sshll.u32 s28, $0x1;
	[dreg:$0x2] =	wrdreg s3  }
0xaf: {  	[dreg:$0x3] =	wrdreg s5  }
0xb0: {  	[dreg:$0x4] =	wrdreg $0xC0  }
0xb1: {  	_ =	task [dreg:s7], $0x5FFFF  }
0xb2: {  	[dreg:$0x1] =	wrdreg $0xFFFFFFFF  }
0xb3: {  	[dreg:$0x0] =	wrdreg $0x60  }
0xb4: {  	[dreg:$0x2] =	wrdreg s24  }
0xb5: {  	[dreg:$0x3] =	wrdreg s16  }
0xb6: {  	[dreg:$0x4] =	wrdreg $0x9  }
0xb7: {  	_ =	task.clear_ibuf [dreg:s7], $0x5FFFF;
	_ =	strace $0x90000046  }
0xb8: {  	s29 =	simm.s32 $0x9;
	_ =	strace $0x80000048  }
0xb9: {  	_ =	swait.ge [sflag:s29], $0x1  }
0xba: {  	[sflag:s29] =	ssyncadd.s32 $0xFFFFFFFF  }
0xbb: {  	_ =	strace $0x90000048  }
0xbc: {  	_ =	sfence  }
0xbd: {  	s30 =	sld [smem:$0x0];
	_ =	sdelay $0x2  }
0xbe: {  	s31 =	sshll.u32 s1, $0xD;
	s1 =	sshrl.u32 s1, $0x2  }
0xbf: {  	s3 =	sand.u32 $0x4000, s31;
	s1 =	sadd.s32 s1, s30  }
0xc0: {  	s0 =	sor.u32 s3, s0;
	s1 =	sshll.u32 s1, $0x11  }
0xc1: {  	s0 =	sor.u32 s1, s0  }
0xc2: {  	s0 =	sadd.s32 $0x8F2B, s0  }
0xc3: {  	[sflag:s0] =	ssyncadd.remote.s32 $0x1  }
0xc4: {  	_ =	sfence.sel $0xFFFF  }
0xc5: {  	[dreg:$0x0] =	wrdreg $0xFFFFFFFF;
	(pc) =	sbr.abs _section_cstart, $3  }
0xc6: {  	[dreg:$0x1] =	wrdreg $0xFFFFFFFF  }
0xc7: {  	_ =	task.clear_ibuf [dreg:s7], $0x2FFFF;
	_ =	strace $0x9FFFFFFF  }
0xc8: {  	(tm) =	ssettm $0x7FFFFFFF  }
0xc9: {  	_ =	shalt  }
tec
execute0_lowered:
.L_overlay_start_1:
0x0: {  	(tag) =	ssettag $0x1  }
0x1: {  	s4 =	rddreg [dreg:$0x0]  }
0x2: {  	s5 =	rddreg [dreg:$0x1]  }
0x3: {  	s0 =	rddreg [dreg:$0x2];
	s3 =	srdreg.scid  }
0x4: {  	s1 =	stileid.u32;
	s2 =	simm.s32 $0x0;
	s11 =	simm.s32 $0x400  }
0x5: {  	s12 =	simm.s32 $0x11000;
	s13 =	simm.s32 $0x10000;
	s14 =	simm.s32 $0x0  }
0x6: {  	s6 =	sand.u32 $0x1, s3;
	s26 =	sshll.u32 s1, $0x8;
	s7 =	sshrl.u32 s1, $0x2  }
0x7: {  	[smem:$0x7FF] =	sst s2;
	s8 =	sshll.u32 s6, $0x7;
	s3 =	sand.u32 $0x300, s26  }
0x8: {  	s28 =	sshll.u32 s7, $0xF;
	_ =	strace $0x80000047;
	s10 =	sshll.u32 s7, $0xA  }
0x9: {  	s7 =	sshll.u32 s7, $0x13;
	s6 =	ssub.s32 $0x2, s6;
	s8 =	sor.u32 s8, s3  }
0xa: {  	s3 =	sadd.s32 $0x2400, s4;
	s30 =	sshrl.u32 s6, $0x1;
	s9 =	sor.u32 s28, s8  }
0xb: {  	s10 =	sor.u32 s10, s8;
	s7 =	sor.u32 s7, s8;
	s31 =	ssub.s32 s6, s30  }
0xc: {  	s8 =	simm.s32 $0x11080;
	s9 =	sshrl.u32 s9, $0x3;
	s10 =	sshrl.u32 s10, $0x3  }
0xd: {  	s7 =	sshrl.u32 s7, $0x3;
	s9 =	sadd.s32 s9, s4;
	s29 =	sadd.s32 s10, s4  }
0xe: {  	vm0 =	vmmov $0x1;
	vm1 =	vcmask $0x308;
	vm2 =	vcmask $0x300;
	s4 =	sadd.s32 s5, s7;
	s7 =	smax.u32 s31, $0x1;
	s10 =	simm.s32 $0x80  }
0xf: {  	vm3 =	vcmask $0x704;
	vm4 =	vcmask $0xB08;
	vm5 =	vcmask $0xF0C;
	s5 =	sadd.s32 $0x6600, s29;
	s6 =	sadd.s32 $0x2600, s9;
	s9 =	simm.s32 $0x1  }
.LBB2_1:
0x10: {  	[tilespmem:s8], [sflag:$0x1] =	stream.linear.gather [hbm4b:s3+s2], $0x80, $0x38;
	[tilespmem:$0x11100] =	vst v63  }
0x11: {  	_ =	swait.ge [sflag:s9], $0x80  }
0x12: {  	[sflag:s9] =	ssyncset.done $0x0  }
0x13: {  	[sflag:s9] =	ssyncadd.s32 $0xFFFFFF80  }
0x14: {  	v0 =	vld [tilespmem:$0x11080];
	_ =	sdelay $0x4  }
0x15: {  	v1 =	vnsel vm0, $0x80000000, v0  }
0x16: {  	v0 =	vsel vm1, $0x80000000, v0;
	v1 =	vxor.u32 $0x80000000, v1  }
0x17: {  	v0 =	vxor.u32 $0x80000000, v0;
	(xrf0) =	vmax.scan.msk.u32 $0xffff, v1  }
0x18: {  	(xrf0) =	vmax.scan.msk.u32 $0xffff, v0;
	_ =	sdelay $0x4  }
0x19: {  	v0, _, _ =	vpop (xrf0)  }
0x1a: {  	(v2sf) =	vpush v0, $0xF;
	v0, _, _ =	vpop (xrf0)  }
0x1b: {  	(v2sf) =	vpush v0, $0xF;
	_ =	sdelay $0xc  }
0x1c: {  	[tilespmem:s2], [sflag:$0x1] =	stream.strided.gather [hbm4b:s4+s10], $0x10000, s11, s10, $0x38;
	[tilespmem:$0x11100] =	vst v63  }
0x1d: {  	s15 =	spop (v2sf)  }
0x1e: {  	s16 =	spop (v2sf)  }
0x1f: {  	_ =	swait.ge [sflag:s9], $0x10000  }
0x20: {  	[sflag:s9] =	ssyncset.done $0x0  }
0x21: {  	[sflag:s9] =	ssyncadd.s32 $0xFFFF0000  }
0x22: {  	v2 =	vld [tilespmem:s2+$0x0];
	_ =	sdelay $0x2  }
0x23: {  	s15 =	sxor.u32 $0x80000000, s15;
	s16 =	sxor.u32 $0x80000000, s16  }
0x24: {  	v0 =	vmov s15;
	v1 =	vmov s16  }
0x25: {  	vm6 =	vge.s32 v2, v0;
	vm7 =	vlt.s32 v2, v1  }
0x26: {  	p0 =	por $0x0, $0x0;
	s25 =	sand.u32 $0x3F80, s2;
	s26 =	sand.u32 $0x70, s2;
	vm6 =	vmand vm6, vm7  }
0x27: {  	s17 =	sor.u32 s26, s25;
	[tilespmem:s2+$0x10000] =	vst.msk @!p0 vm6, v2  }
0x28: {  	v2 =	vld [tilespmem:s17+$0x4000];
	_ =	sdelay $0x1  }
0x29: {  	v3 =	vmpcnt.ones.xlane vm6;
	_ =	sdelay $0x1  }
0x2a: {  	v3 =	vxor.u32 $0x80000000, v3  }
0x2b: {  	(xrf0) =	vmax.scan.msk.u32 $0xffff, v3;
	vm6 =	vge.s32 v2, v0;
	vm7 =	vlt.s32 v2, v1  }
0x2c: {  	vm6 =	vmand vm6, vm7  }
0x2d: {  	s15 =	sadd.s32 s26, s25;
	[tilespmem:s2+$0x10400] =	vst.msk @!p0 vm6, v2  }
0x2e: {  	v2 =	vld [tilespmem:s15+$0x8000];
	_ =	sdelay $0x1  }
0x2f: {  	v3 =	vmpcnt.ones.xlane vm6  }
0x30: {  	v4, _, _ =	vpop (xrf0)  }
0x31: {  	v3 =	vxor.u32 $0x80000000, v3;
	(v2sf) =	vpush v4, $0xF  }
0x32: {  	(xrf0) =	vmax.scan.msk.u32 $0xffff, v3;
	vm6 =	vge.s32 v2, v0;
	vm7 =	vlt.s32 v2, v1  }
0x33: {  	vm6 =	vmand vm6, vm7  }
0x34: {  	[tilespmem:s2+$0x10800] =	vst.msk @!p0 vm6, v2  }
0x35: {  	v2 =	vld [tilespmem:s15+$0xC000];
	_ =	sdelay $0x2  }
0x36: {  	v4, _, _ =	vpop (xrf0)  }
0x37: {  	(v2sf) =	vpush v4, $0xF  }
0x38: {  	v3 =	vmpcnt.ones.xlane vm6;
	vm6 =	vge.s32 v2, v0;
	vm7 =	vlt.s32 v2, v1  }
0x39: {  	vm6 =	vmand vm6, vm7  }
0x3a: {  	s16 =	simm.s32 $0x10;
	[tilespmem:s2+$0x10C00] =	vst.msk @!p0 vm6, v2  }
0x3b: {  	v3 =	vxor.u32 $0x80000000, v3;
	v2 =	vld [tilespmem:s16+$0x0]  }
0x3c: {  	(xrf0) =	vmax.scan.msk.u32 $0xffff, v3  }
0x3d: {  	v3 =	vmpcnt.ones.xlane vm6  }
0x3e: {  	s28 =	spop (v2sf)  }
0x3f: {  	v3 =	vxor.u32 $0x80000000, v3;
	s15 =	sxor.u32 $0x80000000, s28  }
0x40: {  	(xrf0) =	vmax.scan.msk.u32 $0xffff, v3;
	s15 =	sadd.s32 $0x0, s15;
	vm6 =	vge.s32 v2, v0;
	vm7 =	vlt.s32 v2, v1  }
0x41: {  	s18 =	sand.u32 $0x3F80, s16;
	s19 =	sand.u32 $0x70, s16;
	p0 =	sgt.s32 s15, $0x3F0;
	vm6 =	vmand vm6, vm7  }
0x42: {  	s29 =	sor.u32 s19, s18;
	v3, _, _ =	vpop (xrf0);
	[tilespmem:s15+$0x10000] =	vst.msk @!p0 vm6, v2  }
0x43: {  	(v2sf) =	vpush v3, $0xF;
	v2 =	vld [tilespmem:s29+$0x4000];
	_ =	sdelay $0x2  }
0x44: {  	v3, _, _ =	vpop (xrf0);
	s30 =	spop (v2sf)  }
0x45: {  	(v2sf) =	vpush v3, $0xF;
	s17 =	sxor.u32 $0x80000000, s30  }
0x46: {  	v3 =	vmpcnt.ones.xlane vm6;
	s17 =	sadd.s32 $0x0, s17;
	vm7 =	vge.s32 v2, v0;
	vm8 =	vlt.s32 v2, v1  }
0x47: {  	p0 =	sgt.s32 s17, $0x3F0;
	vm6 =	vmand vm7, vm8  }
0x48: {  	[tilespmem:s17+$0x10400] =	vst.msk @!p0 vm6, v2;
	v2 =	vxor.u32 $0x80000000, v3  }
0x49: {  	(xrf0) =	vmax.scan.msk.u32 $0xffff, v2  }
0x4a: {  	v4 =	vmpcnt.ones.xlane vm6;
	_ =	sdelay $0x1  }
0x4b: {  	v2 =	vxor.u32 $0x80000000, v4;
	_ =	sdelay $0x1  }
0x4c: {  	s19 =	sadd.s32 s19, s18  }
0x4d: {  	v3 =	vld [tilespmem:s19+$0x8000];
	(xrf0) =	vmax.scan.msk.u32 $0xffff, v2;
	v2, _, _ =	vpop (xrf0)  }
0x4e: {  	s31 =	spop (v2sf);
	(v2sf) =	vpush v2, $0xF;
	_ =	sdelay $0x2  }
0x4f: {  	s18 =	sxor.u32 $0x80000000, s31  }
0x50: {  	vm6 =	vge.s32 v3, v0;
	vm7 =	vlt.s32 v3, v1;
	s18 =	sadd.s32 $0x0, s18  }
0x51: {  	vm6 =	vmand vm6, vm7;
	p0 =	sgt.s32 s18, $0x3F0  }
0x52: {  	v4 =	vmpcnt.ones.xlane vm6;
	[tilespmem:s18+$0x10800] =	vst.msk @!p0 vm6, v3  }
0x53: {  	v5, _, _ =	vpop (xrf0);
	s21 =	spop (v2sf);
	v2 =	vld [tilespmem:s19+$0xC000]  }
0x54: {  	s20 =	simm.s32 $0x20;
	v3 =	vxor.u32 $0x80000000, v4;
	(v2sf) =	vpush v5, $0xF;
	s21 =	sxor.u32 $0x80000000, s21;
	s19 =	simm.s32 $0x0  }
.LBB2_2:
0x55: {  	s19 =	sadd.s32 s19, s21;
	s21 =	smov.u32 s20;
	s20 =	sadd.s32 $0x10, s20  }
0x56: {  	p0 =	sne.s32 s20, $0x4000;
	_ =	sdelay $0x1  }
0x57: {  	vm6 =	vge.s32 v2, v0;
	vm7 =	vlt.s32 v2, v1;
	(xrf0) =	vmax.scan.msk.u32 $0xffff, v3  }
0x58: {  	p1 =	sgt.s32 s19, $0x3F0;
	vm6 =	vmand vm6, vm7  }
0x59: {  	s16 =	sadd.s32 $0x10, s16;
	v3 =	vmpcnt.ones.xlane vm6;
	[tilespmem:s19+$0x10C00] =	vst.msk @!p1 vm6, v2  }
0x5a: {  	v2 =	vld [tilespmem:s16+$0x0];
	s22 =	spop (v2sf)  }
0x5b: {  	s22 =	sxor.u32 $0x80000000, s22;
	v4 =	vxor.u32 $0x80000000, v3  }
0x5c: {  	s15 =	sadd.s32 s15, s22;
	(xrf0) =	vmax.scan.msk.u32 $0xffff, v4  }
0x5d: {  	v3, _, _ =	vpop (xrf0)  }
0x5e: {  	(v2sf) =	vpush v3, $0xF  }
0x5f: {  	vm6 =	vge.s32 v2, v0;
	vm7 =	vlt.s32 v2, v1  }
0x60: {  	s22 =	sand.u32 $0x3F80, s21;
	s21 =	sand.u32 $0x70, s21;
	p1 =	sgt.s32 s15, $0x3F0;
	vm6 =	vmand vm6, vm7  }
0x61: {  	s23 =	sor.u32 s21, s22;
	v3 =	vmpcnt.ones.xlane vm6;
	[tilespmem:s15+$0x10000] =	vst.msk @!p1 vm6, v2  }
0x62: {  	v2 =	vld [tilespmem:s23+$0x4000];
	s23 =	spop (v2sf);
	v4, _, _ =	vpop (xrf0)  }
0x63: {  	v3 =	vxor.u32 $0x80000000, v3;
	s23 =	sxor.u32 $0x80000000, s23;
	(v2sf) =	vpush v4, $0xF  }
0x64: {  	(xrf0) =	vmax.scan.msk.u32 $0xffff, v3;
	s17 =	sadd.s32 s17, s23;
	_ =	sdelay $0x2  }
0x65: {  	vm6 =	vge.s32 v2, v0;
	vm7 =	vlt.s32 v2, v1  }
0x66: {  	p1 =	sgt.s32 s17, $0x3F0;
	vm6 =	vmand vm6, vm7  }
0x67: {  	s21 =	sadd.s32 s21, s22;
	v3 =	vmpcnt.ones.xlane vm6;
	[tilespmem:s17+$0x10400] =	vst.msk @!p1 vm6, v2  }
0x68: {  	v2 =	vld [tilespmem:s21+$0x8000];
	v4, _, _ =	vpop (xrf0)  }
0x69: {  	v3 =	vxor.u32 $0x80000000, v3;
	(v2sf) =	vpush v4, $0xF  }
0x6a: {  	(xrf0) =	vmax.scan.msk.u32 $0xffff, v3  }
0x6b: {  	s22 =	spop (v2sf)  }
0x6c: {  	s22 =	sxor.u32 $0x80000000, s22  }
.Ltmp0:
0x6d: {  	vm6 =	vge.s32 v2, v0;
	vm7 =	vlt.s32 v2, v1;
	s18 =	sadd.s32 s18, s22;
	(pc) =	sbr.rel @p0 .LBB2_2-.Ltmp0, $4  }
0x6e: {  	vm6 =	vmand vm6, vm7;
	p1 =	sgt.s32 s18, $0x3F0  }
0x6f: {  	v3 =	vmpcnt.ones.xlane vm6;
	[tilespmem:s18+$0x10800] =	vst.msk @!p1 vm6, v2  }
0x70: {  	v2 =	vld [tilespmem:s21+$0xC000];
	v4, _, _ =	vpop (xrf0);
	s21 =	spop (v2sf)  }
0x71: {  	v3 =	vxor.u32 $0x80000000, v3;
	(v2sf) =	vpush v4, $0xF;
	s21 =	sxor.u32 $0x80000000, s21  }
0x72: {  	_ =	sdelay $0x2  }
0x73: {  	vm6 =	vge.s32 v2, v0;
	vm7 =	vlt.s32 v2, v1  }
0x74: {  	vm6 =	vmand vm6, vm7  }
0x75: {  	v60 =	vmpcnt.ones.xlane vm6;
	_ =	sdelay $0x1  }
0x76: {  	(xrf0) =	vmax.scan.msk.u32 $0xffff, v3;
	v0 =	vxor.u32 $0x80000000, v60  }
0x77: {  	(xrf0) =	vmax.scan.msk.u32 $0xffff, v0;
	_ =	sdelay $0x4  }
0x78: {  	v61, _, _ =	vpop (xrf0)  }
0x79: {  	(v2sf) =	vpush v61, $0xF;
	v62, _, _ =	vpop (xrf0)  }
0x7a: {  	(v2sf) =	vpush v62, $0xF;
	_ =	sdelay $0xa  }
0x7b: {  	s16 =	spop (v2sf)  }
0x7c: {  	s16 =	sxor.u32 $0x80000000, s16  }
0x7d: {  	s15 =	sadd.s32 s15, s16;
	s28 =	spop (v2sf)  }
0x7e: {  	v63 =	vmov s15;
	s16 =	sxor.u32 $0x80000000, s28;
	s29 =	spop (v2sf)  }
0x7f: {  	v0 =	vnsel vm2, $0x0, v63;
	s16 =	sadd.s32 s17, s16;
	s15 =	sxor.u32 $0x80000000, s29;
	s30 =	spop (v2sf)  }
0x80: {  	s19 =	sadd.s32 s19, s21;
	v0 =	vsel vm3, s16, v0;
	s15 =	sadd.s32 s18, s15;
	s17 =	sxor.u32 $0x80000000, s30  }
0x81: {  	p0 =	sgt.s32 s19, $0x3F0;
	v0 =	vsel vm4, s15, v0;
	s31 =	sadd.s32 s19, s17  }
0x82: {  	[tilespmem:s19+$0x10C00] =	vst.msk @!p0 vm6, v2;
	v0 =	vsel vm5, s31, v0  }
0x83: {  	[tilespmem:$0x11000] =	vst v0  }
0x84: {  	[hbm4b:s5+s2] =	stream.linear.scatter [tilespmem:s12], [sflag:$0x1], $0x80, $0x38;
	[tilespmem:$0x11100] =	vst v63  }
0x85: {  	s14 =	sadd.s32 $0x1, s14;
	_ =	swait.ge [sflag:s9], $0x80  }
0x86: {  	p0 =	sne.s32 s14, s7;
	[sflag:s9] =	ssyncset.done $0x0  }
.Ltmp1:
0x87: {  	[sflag:s9] =	ssyncadd.s32 $0xFFFFFF80;
	(pc) =	sbr.rel @p0 .LBB2_1-.Ltmp1, $4  }
0x88: {  	[hbm4b:s6+s10] =	stream.strided.scatter [tilespmem:s13], [sflag:$0x1], $0x1000, s11, s10, $0x38;
	[tilespmem:$0x11100] =	vst v63  }
0x89: {  	_ =	swait.ge [sflag:s9], $0x1000  }
0x8a: {  	[sflag:s9] =	ssyncset.done $0x0  }
0x8b: {  	[sflag:s9] =	ssyncadd.s32 $0xFFFFF000  }
0x8c: {  	_ =	sfence.sel $0x180000  }
0x8d: {  	[bflag:$0x0] =	sbarrier.arrive $0xFFFF  }
0x8e: {  	p0 =	sne.s32 s1, $0x0;
	_ =	strace $0x90000047  }
0x8f: {  	s0 =	sadd.s32 @!p0 $0x100000, s0;
	[bflag:$0x2] =	sbarrier.arrive $0xFFFF  }
0x90: {  	[sflag:s0] =	ssyncadd.tile.s32 @!p0 $0x1;
	_ =	shalt  }
.Lfunc_end2:
_tile_overlayer_lowered:
.L_overlay_start_2:
0x91: {  	(tag) =	ssettag $0x2  }
0x92: {  	s0 =	rddreg [dreg:$0x0];
	s2 =	stileid.u32  }
0x93: {  	s1 =	rddreg [dreg:$0x1];
	p0 =	sne.s32 s2, $0x0  }
0x94: {  	s3 =	rddreg [dreg:$0x2];
	[bflag:$0x3] =	sbarrier.arrive $0xFFFF;
	s2 =	simm.s32 @!p0 $0x1C01  }
0x95: {  	[timem:s3], [sflag:s2] =	dma.local @!p0 [hbm:s0], s1  }
0x96: {  	s0 =	simm.s32 @!p0 $0x1  }
0x97: {  	_ =	swait.ge @!p0 [sflag:s0], s1  }
0x98: {  	s1 =	ssub.s32 @!p0 $0x0, s1;
	[sflag:s0] =	ssyncset.done @!p0 $0x0  }
0x99: {  	[sflag:s0] =	ssyncadd.s32 @!p0 s1  }
0x9a: {  	[bflag:$0x3] =	sbarrier.arrive $0xFFFF  }
0x9b: {  	_ =	shalt  }

</sc_bundles>
